<compile_context>
chip_gen: v7x
topology: tpu7x:2x2x1
jax: 0.10.2.dev20260603
libtpu: 0.0.44.dev20260713+nightly
codegen_flags: <defaults>
</compile_context>

<pallas_src>
import functools

import jax
import jax.numpy as jnp
from jax import lax
from jax.experimental import pallas as pl
from jax.experimental.pallas import tpu as pltpu
from jax.experimental.pallas import tpu_sc as plsc


def _sc_geometry():
    try:
        info = plsc.get_sparse_core_info()
        return info.num_cores, info.num_subcores
    except Exception:
        return 2, 16


def kernel(embedding_ids, embedding_table):
    B, H = embedding_ids.shape
    V, D = embedding_table.shape
    NC, NS = _sc_geometry()
    NW = NC * NS

    rows_w = B // NW
    n_chunks = H
    RING = 5
    LOOKAHEAD = 2
    assert rows_w * NW == B
    assert n_chunks % RING == 0 and n_chunks >= RING

    idx = embedding_ids.astype(jnp.int32).T.reshape(H, NW, rows_w)

    mesh = plsc.VectorSubcoreMesh(core_axis_name="c", subcore_axis_name="s")

    @functools.partial(
        pl.kernel,
        out_type=jax.ShapeDtypeStruct((B, H * D), jnp.float32),
        mesh=mesh,
        scratch_types=[
            pltpu.VMEM((n_chunks, rows_w), jnp.int32),
            pltpu.VMEM((RING, rows_w, D), jnp.float32),
        ]
        + [pltpu.SemaphoreType.DMA] * (2 * RING),
    )
    def run(idx_hbm, tbl_hbm, out_hbm, idx_v, rows, *sems):
        gsem = sems[:RING]
        wsem = sems[RING:]
        wid = lax.axis_index("s") * NC + lax.axis_index("c")
        row0 = wid * rows_w
        pltpu.sync_copy(
            idx_hbm.at[pl.ds(0, n_chunks), pl.ds(wid, 1)],
            idx_v.reshape(n_chunks, 1, rows_w),
        )

        def gather(j, b):
            pltpu.async_copy(
                tbl_hbm.at[idx_v.at[j]], rows.at[b], gsem[b]
            )

        def wait_gather(b):
            pltpu.make_async_copy(
                tbl_hbm.at[idx_v.at[0]], rows.at[b], gsem[b]
            ).wait()

        def write(j, b):
            pltpu.async_copy(
                rows.at[b],
                out_hbm.at[pl.ds(row0, rows_w), pl.ds(j * D, D)],
                wsem[b],
            )

        def wait_write(b):
            pltpu.make_async_copy(
                rows.at[b],
                out_hbm.at[pl.ds(row0, rows_w), pl.ds(0, D)],
                wsem[b],
            ).wait()

        for b in range(LOOKAHEAD):
            gather(b, b)

        def body(p, carry):
            for b in range(RING):
                j = RING * p + b
                bp = (b + LOOKAHEAD) % RING
                if b < RING - LOOKAHEAD:

                    @pl.when(p > 0)
                    def _(bp=bp):
                        wait_write(bp)

                else:
                    wait_write(bp)
                max_j = RING * (n_chunks // RING - 1) + b
                if max_j + LOOKAHEAD < n_chunks:
                    gather(j + LOOKAHEAD, bp)
                else:

                    @pl.when(j + LOOKAHEAD < n_chunks)
                    def _(j=j, bp=bp):
                        gather(j + LOOKAHEAD, bp)

                wait_gather(b)
                write(j, b)
            return carry

        lax.fori_loop(0, n_chunks // RING, body, 0)

        for j in range(n_chunks - (RING - LOOKAHEAD), n_chunks):
            wait_write(j % RING)

    return run(idx, embedding_table)

# --- scband reference (transcript-rebuilt; emitter-appended) ---
"""Pipeline reference for scband-embedding-arch-4466765988671 (READ-ONLY COPY).

The authoritative reference and input builder live on the scoring server;
editing this copy changes nothing except your own understanding.
"""

import jax, jax.numpy as jnp
import numpy as np

NUM_EMBEDDINGS = 100000
EMBEDDING_DIM = 128
BATCH = 4096
HIST = 50


def setup_inputs(seed: int = 0) -> dict:
    key = jax.random.key(seed)
    k_idx, k_tbl = jax.random.split(key)
    embedding_ids = jax.random.randint(k_idx, (BATCH, HIST), 0, NUM_EMBEDDINGS, dtype=jnp.int64 if jax.config.jax_enable_x64 else jnp.int32)
    # nn.initializers.uniform() -> uniform in [0, 0.01)
    embedding_table = jax.random.uniform(k_tbl, (NUM_EMBEDDINGS, EMBEDDING_DIM), dtype=jnp.float32, minval=0.0, maxval=0.01)
    return {"embedding_ids": embedding_ids, "embedding_table": embedding_table}


def reference(embedding_ids, embedding_table):
    embeddings = jnp.take(embedding_table, embedding_ids, axis=0)
    return embeddings.reshape((embeddings.shape[0], -1))

if __name__ == "__main__":
    import jax
    _d = setup_inputs()
    print(jax.jit(kernel)(*tuple(_d.values())))

</pallas_src>

<mosaic_0001>
#map = affine_map<(d0, d1) -> (0, 0, 0)>
#map1 = affine_map<(d0, d1) -> (0, 0)>
module attributes {stable_mosaic.version = 14 : i64} {
  func.func @run(%arg0: i32, %arg1: i32, %arg2: memref<50x32x128xi32, #tpu.memory_space<hbm>>, %arg3: memref<100000x128xf32, #tpu.memory_space<hbm>>, %arg4: memref<4096x6400xf32, #tpu.memory_space<hbm>>, %arg5: memref<50x128xi32, #tpu.memory_space<vmem>>, %arg6: memref<5x128x128xf32, #tpu.memory_space<vmem>>, %arg7: memref<!tpu.dma_semaphore, #tpu.memory_space<semaphore_mem>>, %arg8: memref<!tpu.dma_semaphore, #tpu.memory_space<semaphore_mem>>, %arg9: memref<!tpu.dma_semaphore, #tpu.memory_space<semaphore_mem>>, %arg10: memref<!tpu.dma_semaphore, #tpu.memory_space<semaphore_mem>>, %arg11: memref<!tpu.dma_semaphore, #tpu.memory_space<semaphore_mem>>, %arg12: memref<!tpu.dma_semaphore, #tpu.memory_space<semaphore_mem>>, %arg13: memref<!tpu.dma_semaphore, #tpu.memory_space<semaphore_mem>>, %arg14: memref<!tpu.dma_semaphore, #tpu.memory_space<semaphore_mem>>, %arg15: memref<!tpu.dma_semaphore, #tpu.memory_space<semaphore_mem>>, %arg16: memref<!tpu.dma_semaphore, #tpu.memory_space<semaphore_mem>>) attributes {dimension_semantics = [#tpu.dimension_semantics<core_parallel>, #tpu.dimension_semantics<subcore_parallel>], iteration_bounds = array<i64: 2, 16>, scalar_prefetch = 0 : i64, scratch_operands = 12 : i64, tpu.core_type = #tpu.core_type<sc_vector_subcore>, window_params = [{transform_indices = #map}, {transform_indices = #map1}, {transform_indices = #map1}]} {
    %mul3A = arith.constant 2 : i32
    %mul3A_0 = arith.muli %arg1, %mul3A : i32
    %add3A = arith.addi %mul3A_0, %arg0 : i32
    %mul3A_1 = arith.constant 128 : i32
    %mul3A_2 = arith.muli %add3A, %mul3A_1 : i32
    "tpu.region"() ({
      %run_scoped3A = tpu.sem_alloc : memref<!tpu.dma_semaphore, #tpu.memory_space<semaphore_mem>>
      %dma_start3A_69 = tpu.memref_reshape %arg5 : memref<50x128xi32, #tpu.memory_space<vmem>> -> memref<50x1x128xi32, #tpu.memory_space<vmem>>
      %dma_start3A_70 = arith.constant 0 : i32
      %dma_start3A_71 = arith.constant 0 : i32
      %dma_start3A_72 = tpu.memref_slice %arg2[%dma_start3A_70, %add3A, %dma_start3A_71] : memref<50x32x128xi32, #tpu.memory_space<hbm>> -> memref<50x1x128xi32, #tpu.memory_space<hbm>>
      %dma_start3A_73 = tpu.memref_reshape %arg5 : memref<50x128xi32, #tpu.memory_space<vmem>> -> memref<50x1x128xi32, #tpu.memory_space<vmem>>
      %dma_start3A_74 = arith.constant 0 : i32
      %dma_start3A_75 = arith.constant 0 : i32
      %dma_start3A_76 = tpu.memref_slice %arg2[%dma_start3A_74, %add3A, %dma_start3A_75] : memref<50x32x128xi32, #tpu.memory_space<hbm>> -> memref<50x1x128xi32, #tpu.memory_space<hbm>>
      tpu.enqueue_dma source(%dma_start3A_76 : memref<50x1x128xi32, #tpu.memory_space<hbm>>) target(%dma_start3A_73 : memref<50x1x128xi32, #tpu.memory_space<vmem>>) target_semaphore(%run_scoped3A : memref<!tpu.dma_semaphore, #tpu.memory_space<semaphore_mem>>)
      %dma_wait3A_77 = tpu.memref_reshape %arg5 : memref<50x128xi32, #tpu.memory_space<vmem>> -> memref<50x1x128xi32, #tpu.memory_space<vmem>>
      %dma_wait3A_78 = arith.constant 0 : i32
      %dma_wait3A_79 = arith.constant 0 : i32
      %dma_wait3A_80 = tpu.memref_slice %arg2[%dma_wait3A_78, %add3A, %dma_wait3A_79] : memref<50x32x128xi32, #tpu.memory_space<hbm>> -> memref<50x1x128xi32, #tpu.memory_space<hbm>>
      %dma_wait3A_81 = tpu.memref_reshape %arg5 : memref<50x128xi32, #tpu.memory_space<vmem>> -> memref<50x1x128xi32, #tpu.memory_space<vmem>>
      %dma_wait3A_82 = arith.constant 0 : i32
      %dma_wait3A_83 = arith.constant 0 : i32
      %dma_wait3A_84 = tpu.memref_slice %arg2[%dma_wait3A_82, %add3A, %dma_wait3A_83] : memref<50x32x128xi32, #tpu.memory_space<hbm>> -> memref<50x1x128xi32, #tpu.memory_space<hbm>>
      tpu.wait_dma2 semaphore(%run_scoped3A : memref<!tpu.dma_semaphore, #tpu.memory_space<semaphore_mem>>) src(%dma_wait3A_84 : memref<50x1x128xi32, #tpu.memory_space<hbm>>) dst(%dma_wait3A_81 : memref<50x1x128xi32, #tpu.memory_space<vmem>>)
      tpu.yield
    }) : () -> ()
    %dma_start3A = arith.constant 0 : i32
    %dma_start3A_3 = arith.constant 0 : i32
    %dma_start3A_4 = arith.constant 0 : i32
    %dma_start3A_5 = arith.constant 0 : i32
    %dma_start3A_6 = tpu.memref_slice %arg6[%dma_start3A_3, %dma_start3A_4, %dma_start3A_5] : memref<5x128x128xf32, #tpu.memory_space<vmem>> -> memref<1x128x128xf32, #tpu.memory_space<vmem>>
    %dma_start3A_7 = tpu.memref_squeeze %dma_start3A_6 : memref<1x128x128xf32, #tpu.memory_space<vmem>> -> memref<128x128xf32, #tpu.memory_space<vmem>>
    %dma_start3A_8 = arith.constant 0 : i32
    %dma_start3A_9 = tpu.memref_slice %arg5[%dma_start3A, %dma_start3A_8] : memref<50x128xi32, #tpu.memory_space<vmem>> -> memref<1x128xi32, #tpu.memory_space<vmem>>
    %dma_start3A_10 = tpu.memref_squeeze %dma_start3A_9 : memref<1x128xi32, #tpu.memory_space<vmem>> -> memref<128xi32, #tpu.memory_space<vmem>>
    %dma_start3A_11 = arith.constant 0 : i32
    %dma_start3A_12 = arith.constant 0 : i32
    %dma_start3A_13 = tpu.memref_slice %arg3[%dma_start3A_11, %dma_start3A_12] : memref<100000x128xf32, #tpu.memory_space<hbm>> -> memref<100000x128xf32, #tpu.memory_space<hbm>>
    tpu.enqueue_indirect_dma source(%dma_start3A_13 : memref<100000x128xf32, #tpu.memory_space<hbm>>) target(%dma_start3A_7 : memref<128x128xf32, #tpu.memory_space<vmem>>) offsets(%dma_start3A_10 : memref<128xi32, #tpu.memory_space<vmem>>) semaphore(%arg7 : memref<!tpu.dma_semaphore, #tpu.memory_space<semaphore_mem>>)
    %dma_start3A_14 = arith.constant 1 : i32
    %dma_start3A_15 = arith.constant 1 : i32
    %dma_start3A_16 = arith.constant 0 : i32
    %dma_start3A_17 = arith.constant 0 : i32
    %dma_start3A_18 = tpu.memref_slice %arg6[%dma_start3A_15, %dma_start3A_16, %dma_start3A_17] : memref<5x128x128xf32, #tpu.memory_space<vmem>> -> memref<1x128x128xf32, #tpu.memory_space<vmem>>
    %dma_start3A_19 = tpu.memref_squeeze %dma_start3A_18 : memref<1x128x128xf32, #tpu.memory_space<vmem>> -> memref<128x128xf32, #tpu.memory_space<vmem>>
    %dma_start3A_20 = arith.constant 0 : i32
    %dma_start3A_21 = tpu.memref_slice %arg5[%dma_start3A_14, %dma_start3A_20] : memref<50x128xi32, #tpu.memory_space<vmem>> -> memref<1x128xi32, #tpu.memory_space<vmem>>
    %dma_start3A_22 = tpu.memref_squeeze %dma_start3A_21 : memref<1x128xi32, #tpu.memory_space<vmem>> -> memref<128xi32, #tpu.memory_space<vmem>>
    %dma_start3A_23 = arith.constant 0 : i32
    %dma_start3A_24 = arith.constant 0 : i32
    %dma_start3A_25 = tpu.memref_slice %arg3[%dma_start3A_23, %dma_start3A_24] : memref<100000x128xf32, #tpu.memory_space<hbm>> -> memref<100000x128xf32, #tpu.memory_space<hbm>>
    tpu.enqueue_indirect_dma source(%dma_start3A_25 : memref<100000x128xf32, #tpu.memory_space<hbm>>) target(%dma_start3A_19 : memref<128x128xf32, #tpu.memory_space<vmem>>) offsets(%dma_start3A_22 : memref<128xi32, #tpu.memory_space<vmem>>) semaphore(%arg8 : memref<!tpu.dma_semaphore, #tpu.memory_space<semaphore_mem>>)
    %scan3A = arith.constant 0 : i32
    %scan3A_26 = arith.constant 0 : i32
    %scan3A_27 = arith.constant 10 : i32
    %scan3A_28 = arith.addi %scan3A_26, %scan3A_27 : i32
    %scan3A_29 = arith.constant 1 : i32
    scf.for %scan3A_69 = %scan3A_26 to %scan3A_28 step %scan3A_29  : i32 {
      %mul3A_70 = arith.constant 5 : i32
      %mul3A_71 = arith.muli %mul3A_70, %scan3A_69 : i32
      %add3A_72 = arith.constant 0 : i32
      %add3A_73 = arith.addi %mul3A_71, %add3A_72 : i32
      %gt3A = arith.constant 0 : i32
      %gt3A_74 = arith.cmpi sgt, %scan3A_69, %gt3A : i32
      %convert_element_type3A = arith.extui %gt3A_74 : i1 to i32
      %cond3A = arith.constant 0 : i32
      %cond3A_75 = arith.cmpi ne, %convert_element_type3A, %cond3A : i32
      scf.if %cond3A_75 {
        %dma_wait3A_305 = arith.constant 2 : i32
        %dma_wait3A_306 = arith.constant 0 : i32
        %dma_wait3A_307 = arith.constant 0 : i32
        %dma_wait3A_308 = tpu.memref_slice %arg6[%dma_wait3A_305, %dma_wait3A_306, %dma_wait3A_307] : memref<5x128x128xf32, #tpu.memory_space<vmem>> -> memref<1x128x128xf32, #tpu.memory_space<vmem>>
        %dma_wait3A_309 = tpu.memref_squeeze %dma_wait3A_308 : memref<1x128x128xf32, #tpu.memory_space<vmem>> -> memref<128x128xf32, #tpu.memory_space<vmem>>
        %dma_wait3A_310 = arith.constant 0 : i32
        %dma_wait3A_311 = tpu.memref_slice %arg4[%mul3A_2, %dma_wait3A_310] : memref<4096x6400xf32, #tpu.memory_space<hbm>> -> memref<128x128xf32, #tpu.memory_space<hbm>>
        %dma_wait3A_312 = arith.constant 0 : i32
        %dma_wait3A_313 = tpu.memref_slice %arg4[%mul3A_2, %dma_wait3A_312] : memref<4096x6400xf32, #tpu.memory_space<hbm>> -> memref<128x128xf32, #tpu.memory_space<hbm>>
        %dma_wait3A_314 = arith.constant 0 : i32
        %dma_wait3A_315 = arith.constant 0 : i32
        %dma_wait3A_316 = tpu.memref_slice %arg6[%dma_wait3A_305, %dma_wait3A_314, %dma_wait3A_315] : memref<5x128x128xf32, #tpu.memory_space<vmem>> -> memref<1x128x128xf32, #tpu.memory_space<vmem>>
        %dma_wait3A_317 = tpu.memref_squeeze %dma_wait3A_316 : memref<1x128x128xf32, #tpu.memory_space<vmem>> -> memref<128x128xf32, #tpu.memory_space<vmem>>
        tpu.wait_dma2 semaphore(%arg14 : memref<!tpu.dma_semaphore, #tpu.memory_space<semaphore_mem>>) src(%dma_wait3A_317 : memref<128x128xf32, #tpu.memory_space<vmem>>) dst(%dma_wait3A_313 : memref<128x128xf32, #tpu.memory_space<hbm>>)
      } else {
      }
      %add3A_76 = arith.constant 2 : i32
      %add3A_77 = arith.addi %add3A_73, %add3A_76 : i32
      %dma_start3A_78 = arith.constant 2 : i32
      %dma_start3A_79 = arith.constant 0 : i32
      %dma_start3A_80 = arith.constant 0 : i32
      %dma_start3A_81 = tpu.memref_slice %arg6[%dma_start3A_78, %dma_start3A_79, %dma_start3A_80] : memref<5x128x128xf32, #tpu.memory_space<vmem>> -> memref<1x128x128xf32, #tpu.memory_space<vmem>>
      %dma_start3A_82 = tpu.memref_squeeze %dma_start3A_81 : memref<1x128x128xf32, #tpu.memory_space<vmem>> -> memref<128x128xf32, #tpu.memory_space<vmem>>
      %dma_start3A_83 = arith.constant 0 : i32
      %dma_start3A_84 = tpu.memref_slice %arg5[%add3A_77, %dma_start3A_83] : memref<50x128xi32, #tpu.memory_space<vmem>> -> memref<1x128xi32, #tpu.memory_space<vmem>>
      %dma_start3A_85 = tpu.memref_squeeze %dma_start3A_84 : memref<1x128xi32, #tpu.memory_space<vmem>> -> memref<128xi32, #tpu.memory_space<vmem>>
      %dma_start3A_86 = arith.constant 0 : i32
      %dma_start3A_87 = arith.constant 0 : i32
      %dma_start3A_88 = tpu.memref_slice %arg3[%dma_start3A_86, %dma_start3A_87] : memref<100000x128xf32, #tpu.memory_space<hbm>> -> memref<100000x128xf32, #tpu.memory_space<hbm>>
      tpu.enqueue_indirect_dma source(%dma_start3A_88 : memref<100000x128xf32, #tpu.memory_space<hbm>>) target(%dma_start3A_82 : memref<128x128xf32, #tpu.memory_space<vmem>>) offsets(%dma_start3A_85 : memref<128xi32, #tpu.memory_space<vmem>>) semaphore(%arg9 : memref<!tpu.dma_semaphore, #tpu.memory_space<semaphore_mem>>)
      %dma_wait3A_89 = arith.constant 0 : i32
      %dma_wait3A_90 = arith.constant 0 : i32
      %dma_wait3A_91 = arith.constant 0 : i32
      %dma_wait3A_92 = arith.constant 0 : i32
      %dma_wait3A_93 = tpu.memref_slice %arg6[%dma_wait3A_90, %dma_wait3A_91, %dma_wait3A_92] : memref<5x128x128xf32, #tpu.memory_space<vmem>> -> memref<1x128x128xf32, #tpu.memory_space<vmem>>
      %dma_wait3A_94 = tpu.memref_squeeze %dma_wait3A_93 : memref<1x128x128xf32, #tpu.memory_space<vmem>> -> memref<128x128xf32, #tpu.memory_space<vmem>>
      %dma_wait3A_95 = arith.constant 0 : i32
      %dma_wait3A_96 = tpu.memref_slice %arg5[%dma_wait3A_89, %dma_wait3A_95] : memref<50x128xi32, #tpu.memory_space<vmem>> -> memref<1x128xi32, #tpu.memory_space<vmem>>
      %dma_wait3A_97 = tpu.memref_squeeze %dma_wait3A_96 : memref<1x128xi32, #tpu.memory_space<vmem>> -> memref<128xi32, #tpu.memory_space<vmem>>
      %dma_wait3A_98 = arith.constant 0 : i32
      %dma_wait3A_99 = arith.constant 0 : i32
      %dma_wait3A_100 = tpu.memref_slice %arg3[%dma_wait3A_98, %dma_wait3A_99] : memref<100000x128xf32, #tpu.memory_space<hbm>> -> memref<100000x128xf32, #tpu.memory_space<hbm>>
      tpu.wait_indirect_dma semaphore(%arg7 : memref<!tpu.dma_semaphore, #tpu.memory_space<semaphore_mem>>) src(%dma_wait3A_100 : memref<100000x128xf32, #tpu.memory_space<hbm>>) dst(%dma_wait3A_94 : memref<128x128xf32, #tpu.memory_space<vmem>>)
      %mul3A_101 = arith.constant 128 : i32
      %mul3A_102 = arith.muli %add3A_73, %mul3A_101 : i32
      %dma_start3A_103 = arith.constant 0 : i32
      %dma_start3A_104 = arith.constant 0 : i32
      %dma_start3A_105 = arith.constant 0 : i32
      %dma_start3A_106 = tpu.memref_slice %arg6[%dma_start3A_103, %dma_start3A_104, %dma_start3A_105] : memref<5x128x128xf32, #tpu.memory_space<vmem>> -> memref<1x128x128xf32, #tpu.memory_space<vmem>>
      %dma_start3A_107 = tpu.memref_squeeze %dma_start3A_106 : memref<1x128x128xf32, #tpu.memory_space<vmem>> -> memref<128x128xf32, #tpu.memory_space<vmem>>
      %dma_start3A_108 = tpu.memref_slice %arg4[%mul3A_2, %mul3A_102] : memref<4096x6400xf32, #tpu.memory_space<hbm>> -> memref<128x128xf32, #tpu.memory_space<hbm>>
      %dma_start3A_109 = tpu.memref_slice %arg4[%mul3A_2, %mul3A_102] : memref<4096x6400xf32, #tpu.memory_space<hbm>> -> memref<128x128xf32, #tpu.memory_space<hbm>>
      %dma_start3A_110 = arith.constant 0 : i32
      %dma_start3A_111 = arith.constant 0 : i32
      %dma_start3A_112 = tpu.memref_slice %arg6[%dma_start3A_103, %dma_start3A_110, %dma_start3A_111] : memref<5x128x128xf32, #tpu.memory_space<vmem>> -> memref<1x128x128xf32, #tpu.memory_space<vmem>>
      %dma_start3A_113 = tpu.memref_squeeze %dma_start3A_112 : memref<1x128x128xf32, #tpu.memory_space<vmem>> -> memref<128x128xf32, #tpu.memory_space<vmem>>
      tpu.enqueue_dma source(%dma_start3A_113 : memref<128x128xf32, #tpu.memory_space<vmem>>) target(%dma_start3A_109 : memref<128x128xf32, #tpu.memory_space<hbm>>) target_semaphore(%arg12 : memref<!tpu.dma_semaphore, #tpu.memory_space<semaphore_mem>>)
      %mul3A_114 = arith.constant 5 : i32
      %mul3A_115 = arith.muli %mul3A_114, %scan3A_69 : i32
      %add3A_116 = arith.constant 1 : i32
      %add3A_117 = arith.addi %mul3A_115, %add3A_116 : i32
      %gt3A_118 = arith.constant 0 : i32
      %gt3A_119 = arith.cmpi sgt, %scan3A_69, %gt3A_118 : i32
      %convert_element_type3A_120 = arith.extui %gt3A_119 : i1 to i32
      %cond3A_121 = arith.constant 0 : i32
      %cond3A_122 = arith.cmpi ne, %convert_element_type3A_120, %cond3A_121 : i32
      scf.if %cond3A_122 {
        %dma_wait3A_305 = arith.constant 3 : i32
        %dma_wait3A_306 = arith.constant 0 : i32
        %dma_wait3A_307 = arith.constant 0 : i32
        %dma_wait3A_308 = tpu.memref_slice %arg6[%dma_wait3A_305, %dma_wait3A_306, %dma_wait3A_307] : memref<5x128x128xf32, #tpu.memory_space<vmem>> -> memref<1x128x128xf32, #tpu.memory_space<vmem>>
        %dma_wait3A_309 = tpu.memref_squeeze %dma_wait3A_308 : memref<1x128x128xf32, #tpu.memory_space<vmem>> -> memref<128x128xf32, #tpu.memory_space<vmem>>
        %dma_wait3A_310 = arith.constant 0 : i32
        %dma_wait3A_311 = tpu.memref_slice %arg4[%mul3A_2, %dma_wait3A_310] : memref<4096x6400xf32, #tpu.memory_space<hbm>> -> memref<128x128xf32, #tpu.memory_space<hbm>>
        %dma_wait3A_312 = arith.constant 0 : i32
        %dma_wait3A_313 = tpu.memref_slice %arg4[%mul3A_2, %dma_wait3A_312] : memref<4096x6400xf32, #tpu.memory_space<hbm>> -> memref<128x128xf32, #tpu.memory_space<hbm>>
        %dma_wait3A_314 = arith.constant 0 : i32
        %dma_wait3A_315 = arith.constant 0 : i32
        %dma_wait3A_316 = tpu.memref_slice %arg6[%dma_wait3A_305, %dma_wait3A_314, %dma_wait3A_315] : memref<5x128x128xf32, #tpu.memory_space<vmem>> -> memref<1x128x128xf32, #tpu.memory_space<vmem>>
        %dma_wait3A_317 = tpu.memref_squeeze %dma_wait3A_316 : memref<1x128x128xf32, #tpu.memory_space<vmem>> -> memref<128x128xf32, #tpu.memory_space<vmem>>
        tpu.wait_dma2 semaphore(%arg15 : memref<!tpu.dma_semaphore, #tpu.memory_space<semaphore_mem>>) src(%dma_wait3A_317 : memref<128x128xf32, #tpu.memory_space<vmem>>) dst(%dma_wait3A_313 : memref<128x128xf32, #tpu.memory_space<hbm>>)
      } else {
      }
      %add3A_123 = arith.constant 2 : i32
      %add3A_124 = arith.addi %add3A_117, %add3A_123 : i32
      %dma_start3A_125 = arith.constant 3 : i32
      %dma_start3A_126 = arith.constant 0 : i32
      %dma_start3A_127 = arith.constant 0 : i32
      %dma_start3A_128 = tpu.memref_slice %arg6[%dma_start3A_125, %dma_start3A_126, %dma_start3A_127] : memref<5x128x128xf32, #tpu.memory_space<vmem>> -> memref<1x128x128xf32, #tpu.memory_space<vmem>>
      %dma_start3A_129 = tpu.memref_squeeze %dma_start3A_128 : memref<1x128x128xf32, #tpu.memory_space<vmem>> -> memref<128x128xf32, #tpu.memory_space<vmem>>
      %dma_start3A_130 = arith.constant 0 : i32
      %dma_start3A_131 = tpu.memref_slice %arg5[%add3A_124, %dma_start3A_130] : memref<50x128xi32, #tpu.memory_space<vmem>> -> memref<1x128xi32, #tpu.memory_space<vmem>>
      %dma_start3A_132 = tpu.memref_squeeze %dma_start3A_131 : memref<1x128xi32, #tpu.memory_space<vmem>> -> memref<128xi32, #tpu.memory_space<vmem>>
      %dma_start3A_133 = arith.constant 0 : i32
      %dma_start3A_134 = arith.constant 0 : i32
      %dma_start3A_135 = tpu.memref_slice %arg3[%dma_start3A_133, %dma_start3A_134] : memref<100000x128xf32, #tpu.memory_space<hbm>> -> memref<100000x128xf32, #tpu.memory_space<hbm>>
      tpu.enqueue_indirect_dma source(%dma_start3A_135 : memref<100000x128xf32, #tpu.memory_space<hbm>>) target(%dma_start3A_129 : memref<128x128xf32, #tpu.memory_space<vmem>>) offsets(%dma_start3A_132 : memref<128xi32, #tpu.memory_space<vmem>>) semaphore(%arg10 : memref<!tpu.dma_semaphore, #tpu.memory_space<semaphore_mem>>)
      %dma_wait3A_136 = arith.constant 0 : i32
      %dma_wait3A_137 = arith.constant 1 : i32
      %dma_wait3A_138 = arith.constant 0 : i32
      %dma_wait3A_139 = arith.constant 0 : i32
      %dma_wait3A_140 = tpu.memref_slice %arg6[%dma_wait3A_137, %dma_wait3A_138, %dma_wait3A_139] : memref<5x128x128xf32, #tpu.memory_space<vmem>> -> memref<1x128x128xf32, #tpu.memory_space<vmem>>
      %dma_wait3A_141 = tpu.memref_squeeze %dma_wait3A_140 : memref<1x128x128xf32, #tpu.memory_space<vmem>> -> memref<128x128xf32, #tpu.memory_space<vmem>>
      %dma_wait3A_142 = arith.constant 0 : i32
      %dma_wait3A_143 = tpu.memref_slice %arg5[%dma_wait3A_136, %dma_wait3A_142] : memref<50x128xi32, #tpu.memory_space<vmem>> -> memref<1x128xi32, #tpu.memory_space<vmem>>
      %dma_wait3A_144 = tpu.memref_squeeze %dma_wait3A_143 : memref<1x128xi32, #tpu.memory_space<vmem>> -> memref<128xi32, #tpu.memory_space<vmem>>
      %dma_wait3A_145 = arith.constant 0 : i32
      %dma_wait3A_146 = arith.constant 0 : i32
      %dma_wait3A_147 = tpu.memref_slice %arg3[%dma_wait3A_145, %dma_wait3A_146] : memref<100000x128xf32, #tpu.memory_space<hbm>> -> memref<100000x128xf32, #tpu.memory_space<hbm>>
      tpu.wait_indirect_dma semaphore(%arg8 : memref<!tpu.dma_semaphore, #tpu.memory_space<semaphore_mem>>) src(%dma_wait3A_147 : memref<100000x128xf32, #tpu.memory_space<hbm>>) dst(%dma_wait3A_141 : memref<128x128xf32, #tpu.memory_space<vmem>>)
      %mul3A_148 = arith.constant 128 : i32
      %mul3A_149 = arith.muli %add3A_117, %mul3A_148 : i32
      %dma_start3A_150 = arith.constant 1 : i32
      %dma_start3A_151 = arith.constant 0 : i32
      %dma_start3A_152 = arith.constant 0 : i32
      %dma_start3A_153 = tpu.memref_slice %arg6[%dma_start3A_150, %dma_start3A_151, %dma_start3A_152] : memref<5x128x128xf32, #tpu.memory_space<vmem>> -> memref<1x128x128xf32, #tpu.memory_space<vmem>>
      %dma_start3A_154 = tpu.memref_squeeze %dma_start3A_153 : memref<1x128x128xf32, #tpu.memory_space<vmem>> -> memref<128x128xf32, #tpu.memory_space<vmem>>
      %dma_start3A_155 = tpu.memref_slice %arg4[%mul3A_2, %mul3A_149] : memref<4096x6400xf32, #tpu.memory_space<hbm>> -> memref<128x128xf32, #tpu.memory_space<hbm>>
      %dma_start3A_156 = tpu.memref_slice %arg4[%mul3A_2, %mul3A_149] : memref<4096x6400xf32, #tpu.memory_space<hbm>> -> memref<128x128xf32, #tpu.memory_space<hbm>>
      %dma_start3A_157 = arith.constant 0 : i32
      %dma_start3A_158 = arith.constant 0 : i32
      %dma_start3A_159 = tpu.memref_slice %arg6[%dma_start3A_150, %dma_start3A_157, %dma_start3A_158] : memref<5x128x128xf32, #tpu.memory_space<vmem>> -> memref<1x128x128xf32, #tpu.memory_space<vmem>>
      %dma_start3A_160 = tpu.memref_squeeze %dma_start3A_159 : memref<1x128x128xf32, #tpu.memory_space<vmem>> -> memref<128x128xf32, #tpu.memory_space<vmem>>
      tpu.enqueue_dma source(%dma_start3A_160 : memref<128x128xf32, #tpu.memory_space<vmem>>) target(%dma_start3A_156 : memref<128x128xf32, #tpu.memory_space<hbm>>) target_semaphore(%arg13 : memref<!tpu.dma_semaphore, #tpu.memory_space<semaphore_mem>>)
      %mul3A_161 = arith.constant 5 : i32
      %mul3A_162 = arith.muli %mul3A_161, %scan3A_69 : i32
      %add3A_163 = arith.constant 2 : i32
      %add3A_164 = arith.addi %mul3A_162, %add3A_163 : i32
      %gt3A_165 = arith.constant 0 : i32
      %gt3A_166 = arith.cmpi sgt, %scan3A_69, %gt3A_165 : i32
      %convert_element_type3A_167 = arith.extui %gt3A_166 : i1 to i32
      %cond3A_168 = arith.constant 0 : i32
      %cond3A_169 = arith.cmpi ne, %convert_element_type3A_167, %cond3A_168 : i32
      scf.if %cond3A_169 {
        %dma_wait3A_305 = arith.constant 4 : i32
        %dma_wait3A_306 = arith.constant 0 : i32
        %dma_wait3A_307 = arith.constant 0 : i32
        %dma_wait3A_308 = tpu.memref_slice %arg6[%dma_wait3A_305, %dma_wait3A_306, %dma_wait3A_307] : memref<5x128x128xf32, #tpu.memory_space<vmem>> -> memref<1x128x128xf32, #tpu.memory_space<vmem>>
        %dma_wait3A_309 = tpu.memref_squeeze %dma_wait3A_308 : memref<1x128x128xf32, #tpu.memory_space<vmem>> -> memref<128x128xf32, #tpu.memory_space<vmem>>
        %dma_wait3A_310 = arith.constant 0 : i32
        %dma_wait3A_311 = tpu.memref_slice %arg4[%mul3A_2, %dma_wait3A_310] : memref<4096x6400xf32, #tpu.memory_space<hbm>> -> memref<128x128xf32, #tpu.memory_space<hbm>>
        %dma_wait3A_312 = arith.constant 0 : i32
        %dma_wait3A_313 = tpu.memref_slice %arg4[%mul3A_2, %dma_wait3A_312] : memref<4096x6400xf32, #tpu.memory_space<hbm>> -> memref<128x128xf32, #tpu.memory_space<hbm>>
        %dma_wait3A_314 = arith.constant 0 : i32
        %dma_wait3A_315 = arith.constant 0 : i32
        %dma_wait3A_316 = tpu.memref_slice %arg6[%dma_wait3A_305, %dma_wait3A_314, %dma_wait3A_315] : memref<5x128x128xf32, #tpu.memory_space<vmem>> -> memref<1x128x128xf32, #tpu.memory_space<vmem>>
        %dma_wait3A_317 = tpu.memref_squeeze %dma_wait3A_316 : memref<1x128x128xf32, #tpu.memory_space<vmem>> -> memref<128x128xf32, #tpu.memory_space<vmem>>
        tpu.wait_dma2 semaphore(%arg16 : memref<!tpu.dma_semaphore, #tpu.memory_space<semaphore_mem>>) src(%dma_wait3A_317 : memref<128x128xf32, #tpu.memory_space<vmem>>) dst(%dma_wait3A_313 : memref<128x128xf32, #tpu.memory_space<hbm>>)
      } else {
      }
      %add3A_170 = arith.constant 2 : i32
      %add3A_171 = arith.addi %add3A_164, %add3A_170 : i32
      %dma_start3A_172 = arith.constant 4 : i32
      %dma_start3A_173 = arith.constant 0 : i32
      %dma_start3A_174 = arith.constant 0 : i32
      %dma_start3A_175 = tpu.memref_slice %arg6[%dma_start3A_172, %dma_start3A_173, %dma_start3A_174] : memref<5x128x128xf32, #tpu.memory_space<vmem>> -> memref<1x128x128xf32, #tpu.memory_space<vmem>>
      %dma_start3A_176 = tpu.memref_squeeze %dma_start3A_175 : memref<1x128x128xf32, #tpu.memory_space<vmem>> -> memref<128x128xf32, #tpu.memory_space<vmem>>
      %dma_start3A_177 = arith.constant 0 : i32
      %dma_start3A_178 = tpu.memref_slice %arg5[%add3A_171, %dma_start3A_177] : memref<50x128xi32, #tpu.memory_space<vmem>> -> memref<1x128xi32, #tpu.memory_space<vmem>>
      %dma_start3A_179 = tpu.memref_squeeze %dma_start3A_178 : memref<1x128xi32, #tpu.memory_space<vmem>> -> memref<128xi32, #tpu.memory_space<vmem>>
      %dma_start3A_180 = arith.constant 0 : i32
      %dma_start3A_181 = arith.constant 0 : i32
      %dma_start3A_182 = tpu.memref_slice %arg3[%dma_start3A_180, %dma_start3A_181] : memref<100000x128xf32, #tpu.memory_space<hbm>> -> memref<100000x128xf32, #tpu.memory_space<hbm>>
      tpu.enqueue_indirect_dma source(%dma_start3A_182 : memref<100000x128xf32, #tpu.memory_space<hbm>>) target(%dma_start3A_176 : memref<128x128xf32, #tpu.memory_space<vmem>>) offsets(%dma_start3A_179 : memref<128xi32, #tpu.memory_space<vmem>>) semaphore(%arg11 : memref<!tpu.dma_semaphore, #tpu.memory_space<semaphore_mem>>)
      %dma_wait3A_183 = arith.constant 0 : i32
      %dma_wait3A_184 = arith.constant 2 : i32
      %dma_wait3A_185 = arith.constant 0 : i32
      %dma_wait3A_186 = arith.constant 0 : i32
      %dma_wait3A_187 = tpu.memref_slice %arg6[%dma_wait3A_184, %dma_wait3A_185, %dma_wait3A_186] : memref<5x128x128xf32, #tpu.memory_space<vmem>> -> memref<1x128x128xf32, #tpu.memory_space<vmem>>
      %dma_wait3A_188 = tpu.memref_squeeze %dma_wait3A_187 : memref<1x128x128xf32, #tpu.memory_space<vmem>> -> memref<128x128xf32, #tpu.memory_space<vmem>>
      %dma_wait3A_189 = arith.constant 0 : i32
      %dma_wait3A_190 = tpu.memref_slice %arg5[%dma_wait3A_183, %dma_wait3A_189] : memref<50x128xi32, #tpu.memory_space<vmem>> -> memref<1x128xi32, #tpu.memory_space<vmem>>
      %dma_wait3A_191 = tpu.memref_squeeze %dma_wait3A_190 : memref<1x128xi32, #tpu.memory_space<vmem>> -> memref<128xi32, #tpu.memory_space<vmem>>
      %dma_wait3A_192 = arith.constant 0 : i32
      %dma_wait3A_193 = arith.constant 0 : i32
      %dma_wait3A_194 = tpu.memref_slice %arg3[%dma_wait3A_192, %dma_wait3A_193] : memref<100000x128xf32, #tpu.memory_space<hbm>> -> memref<100000x128xf32, #tpu.memory_space<hbm>>
      tpu.wait_indirect_dma semaphore(%arg9 : memref<!tpu.dma_semaphore, #tpu.memory_space<semaphore_mem>>) src(%dma_wait3A_194 : memref<100000x128xf32, #tpu.memory_space<hbm>>) dst(%dma_wait3A_188 : memref<128x128xf32, #tpu.memory_space<vmem>>)
      %mul3A_195 = arith.constant 128 : i32
      %mul3A_196 = arith.muli %add3A_164, %mul3A_195 : i32
      %dma_start3A_197 = arith.constant 2 : i32
      %dma_start3A_198 = arith.constant 0 : i32
      %dma_start3A_199 = arith.constant 0 : i32
      %dma_start3A_200 = tpu.memref_slice %arg6[%dma_start3A_197, %dma_start3A_198, %dma_start3A_199] : memref<5x128x128xf32, #tpu.memory_space<vmem>> -> memref<1x128x128xf32, #tpu.memory_space<vmem>>
      %dma_start3A_201 = tpu.memref_squeeze %dma_start3A_200 : memref<1x128x128xf32, #tpu.memory_space<vmem>> -> memref<128x128xf32, #tpu.memory_space<vmem>>
      %dma_start3A_202 = tpu.memref_slice %arg4[%mul3A_2, %mul3A_196] : memref<4096x6400xf32, #tpu.memory_space<hbm>> -> memref<128x128xf32, #tpu.memory_space<hbm>>
      %dma_start3A_203 = tpu.memref_slice %arg4[%mul3A_2, %mul3A_196] : memref<4096x6400xf32, #tpu.memory_space<hbm>> -> memref<128x128xf32, #tpu.memory_space<hbm>>
      %dma_start3A_204 = arith.constant 0 : i32
      %dma_start3A_205 = arith.constant 0 : i32
      %dma_start3A_206 = tpu.memref_slice %arg6[%dma_start3A_197, %dma_start3A_204, %dma_start3A_205] : memref<5x128x128xf32, #tpu.memory_space<vmem>> -> memref<1x128x128xf32, #tpu.memory_space<vmem>>
      %dma_start3A_207 = tpu.memref_squeeze %dma_start3A_206 : memref<1x128x128xf32, #tpu.memory_space<vmem>> -> memref<128x128xf32, #tpu.memory_space<vmem>>
      tpu.enqueue_dma source(%dma_start3A_207 : memref<128x128xf32, #tpu.memory_space<vmem>>) target(%dma_start3A_203 : memref<128x128xf32, #tpu.memory_space<hbm>>) target_semaphore(%arg14 : memref<!tpu.dma_semaphore, #tpu.memory_space<semaphore_mem>>)
      %mul3A_208 = arith.constant 5 : i32
      %mul3A_209 = arith.muli %mul3A_208, %scan3A_69 : i32
      %add3A_210 = arith.constant 3 : i32
      %add3A_211 = arith.addi %mul3A_209, %add3A_210 : i32
      %dma_wait3A_212 = arith.constant 0 : i32
      %dma_wait3A_213 = arith.constant 0 : i32
      %dma_wait3A_214 = arith.constant 0 : i32
      %dma_wait3A_215 = tpu.memref_slice %arg6[%dma_wait3A_212, %dma_wait3A_213, %dma_wait3A_214] : memref<5x128x128xf32, #tpu.memory_space<vmem>> -> memref<1x128x128xf32, #tpu.memory_space<vmem>>
      %dma_wait3A_216 = tpu.memref_squeeze %dma_wait3A_215 : memref<1x128x128xf32, #tpu.memory_space<vmem>> -> memref<128x128xf32, #tpu.memory_space<vmem>>
      %dma_wait3A_217 = arith.constant 0 : i32
      %dma_wait3A_218 = tpu.memref_slice %arg4[%mul3A_2, %dma_wait3A_217] : memref<4096x6400xf32, #tpu.memory_space<hbm>> -> memref<128x128xf32, #tpu.memory_space<hbm>>
      %dma_wait3A_219 = arith.constant 0 : i32
      %dma_wait3A_220 = tpu.memref_slice %arg4[%mul3A_2, %dma_wait3A_219] : memref<4096x6400xf32, #tpu.memory_space<hbm>> -> memref<128x128xf32, #tpu.memory_space<hbm>>
      %dma_wait3A_221 = arith.constant 0 : i32
      %dma_wait3A_222 = arith.constant 0 : i32
      %dma_wait3A_223 = tpu.memref_slice %arg6[%dma_wait3A_212, %dma_wait3A_221, %dma_wait3A_222] : memref<5x128x128xf32, #tpu.memory_space<vmem>> -> memref<1x128x128xf32, #tpu.memory_space<vmem>>
      %dma_wait3A_224 = tpu.memref_squeeze %dma_wait3A_223 : memref<1x128x128xf32, #tpu.memory_space<vmem>> -> memref<128x128xf32, #tpu.memory_space<vmem>>
      tpu.wait_dma2 semaphore(%arg12 : memref<!tpu.dma_semaphore, #tpu.memory_space<semaphore_mem>>) src(%dma_wait3A_224 : memref<128x128xf32, #tpu.memory_space<vmem>>) dst(%dma_wait3A_220 : memref<128x128xf32, #tpu.memory_space<hbm>>)
      %add3A_225 = arith.constant 2 : i32
      %add3A_226 = arith.addi %add3A_211, %add3A_225 : i32
      %lt3A = arith.constant 50 : i32
      %lt3A_227 = arith.cmpi slt, %add3A_226, %lt3A : i32
      %convert_element_type3A_228 = arith.extui %lt3A_227 : i1 to i32
      %cond3A_229 = arith.constant 0 : i32
      %cond3A_230 = arith.cmpi ne, %convert_element_type3A_228, %cond3A_229 : i32
      scf.if %cond3A_230 {
        %add3A_305 = arith.constant 2 : i32
        %add3A_306 = arith.addi %add3A_211, %add3A_305 : i32
        %dma_start3A_307 = arith.constant 0 : i32
        %dma_start3A_308 = arith.constant 0 : i32
        %dma_start3A_309 = arith.constant 0 : i32
        %dma_start3A_310 = tpu.memref_slice %arg6[%dma_start3A_307, %dma_start3A_308, %dma_start3A_309] : memref<5x128x128xf32, #tpu.memory_space<vmem>> -> memref<1x128x128xf32, #tpu.memory_space<vmem>>
        %dma_start3A_311 = tpu.memref_squeeze %dma_start3A_310 : memref<1x128x128xf32, #tpu.memory_space<vmem>> -> memref<128x128xf32, #tpu.memory_space<vmem>>
        %dma_start3A_312 = arith.constant 0 : i32
        %dma_start3A_313 = tpu.memref_slice %arg5[%add3A_306, %dma_start3A_312] : memref<50x128xi32, #tpu.memory_space<vmem>> -> memref<1x128xi32, #tpu.memory_space<vmem>>
        %dma_start3A_314 = tpu.memref_squeeze %dma_start3A_313 : memref<1x128xi32, #tpu.memory_space<vmem>> -> memref<128xi32, #tpu.memory_space<vmem>>
        %dma_start3A_315 = arith.constant 0 : i32
        %dma_start3A_316 = arith.constant 0 : i32
        %dma_start3A_317 = tpu.memref_slice %arg3[%dma_start3A_315, %dma_start3A_316] : memref<100000x128xf32, #tpu.memory_space<hbm>> -> memref<100000x128xf32, #tpu.memory_space<hbm>>
        tpu.enqueue_indirect_dma source(%dma_start3A_317 : memref<100000x128xf32, #tpu.memory_space<hbm>>) target(%dma_start3A_311 : memref<128x128xf32, #tpu.memory_space<vmem>>) offsets(%dma_start3A_314 : memref<128xi32, #tpu.memory_space<vmem>>) semaphore(%arg7 : memref<!tpu.dma_semaphore, #tpu.memory_space<semaphore_mem>>)
      } else {
      }
      %dma_wait3A_231 = arith.constant 0 : i32
      %dma_wait3A_232 = arith.constant 3 : i32
      %dma_wait3A_233 = arith.constant 0 : i32
      %dma_wait3A_234 = arith.constant 0 : i32
      %dma_wait3A_235 = tpu.memref_slice %arg6[%dma_wait3A_232, %dma_wait3A_233, %dma_wait3A_234] : memref<5x128x128xf32, #tpu.memory_space<vmem>> -> memref<1x128x128xf32, #tpu.memory_space<vmem>>
      %dma_wait3A_236 = tpu.memref_squeeze %dma_wait3A_235 : memref<1x128x128xf32, #tpu.memory_space<vmem>> -> memref<128x128xf32, #tpu.memory_space<vmem>>
      %dma_wait3A_237 = arith.constant 0 : i32
      %dma_wait3A_238 = tpu.memref_slice %arg5[%dma_wait3A_231, %dma_wait3A_237] : memref<50x128xi32, #tpu.memory_space<vmem>> -> memref<1x128xi32, #tpu.memory_space<vmem>>
      %dma_wait3A_239 = tpu.memref_squeeze %dma_wait3A_238 : memref<1x128xi32, #tpu.memory_space<vmem>> -> memref<128xi32, #tpu.memory_space<vmem>>
      %dma_wait3A_240 = arith.constant 0 : i32
      %dma_wait3A_241 = arith.constant 0 : i32
      %dma_wait3A_242 = tpu.memref_slice %arg3[%dma_wait3A_240, %dma_wait3A_241] : memref<100000x128xf32, #tpu.memory_space<hbm>> -> memref<100000x128xf32, #tpu.memory_space<hbm>>
      tpu.wait_indirect_dma semaphore(%arg10 : memref<!tpu.dma_semaphore, #tpu.memory_space<semaphore_mem>>) src(%dma_wait3A_242 : memref<100000x128xf32, #tpu.memory_space<hbm>>) dst(%dma_wait3A_236 : memref<128x128xf32, #tpu.memory_space<vmem>>)
      %mul3A_243 = arith.constant 128 : i32
      %mul3A_244 = arith.muli %add3A_211, %mul3A_243 : i32
      %dma_start3A_245 = arith.constant 3 : i32
      %dma_start3A_246 = arith.constant 0 : i32
      %dma_start3A_247 = arith.constant 0 : i32
      %dma_start3A_248 = tpu.memref_slice %arg6[%dma_start3A_245, %dma_start3A_246, %dma_start3A_247] : memref<5x128x128xf32, #tpu.memory_space<vmem>> -> memref<1x128x128xf32, #tpu.memory_space<vmem>>
      %dma_start3A_249 = tpu.memref_squeeze %dma_start3A_248 : memref<1x128x128xf32, #tpu.memory_space<vmem>> -> memref<128x128xf32, #tpu.memory_space<vmem>>
      %dma_start3A_250 = tpu.memref_slice %arg4[%mul3A_2, %mul3A_244] : memref<4096x6400xf32, #tpu.memory_space<hbm>> -> memref<128x128xf32, #tpu.memory_space<hbm>>
      %dma_start3A_251 = tpu.memref_slice %arg4[%mul3A_2, %mul3A_244] : memref<4096x6400xf32, #tpu.memory_space<hbm>> -> memref<128x128xf32, #tpu.memory_space<hbm>>
      %dma_start3A_252 = arith.constant 0 : i32
      %dma_start3A_253 = arith.constant 0 : i32
      %dma_start3A_254 = tpu.memref_slice %arg6[%dma_start3A_245, %dma_start3A_252, %dma_start3A_253] : memref<5x128x128xf32, #tpu.memory_space<vmem>> -> memref<1x128x128xf32, #tpu.memory_space<vmem>>
      %dma_start3A_255 = tpu.memref_squeeze %dma_start3A_254 : memref<1x128x128xf32, #tpu.memory_space<vmem>> -> memref<128x128xf32, #tpu.memory_space<vmem>>
      tpu.enqueue_dma source(%dma_start3A_255 : memref<128x128xf32, #tpu.memory_space<vmem>>) target(%dma_start3A_251 : memref<128x128xf32, #tpu.memory_space<hbm>>) target_semaphore(%arg15 : memref<!tpu.dma_semaphore, #tpu.memory_space<semaphore_mem>>)
      %mul3A_256 = arith.constant 5 : i32
      %mul3A_257 = arith.muli %mul3A_256, %scan3A_69 : i32
      %add3A_258 = arith.constant 4 : i32
      %add3A_259 = arith.addi %mul3A_257, %add3A_258 : i32
      %dma_wait3A_260 = arith.constant 1 : i32
      %dma_wait3A_261 = arith.constant 0 : i32
      %dma_wait3A_262 = arith.constant 0 : i32
      %dma_wait3A_263 = tpu.memref_slice %arg6[%dma_wait3A_260, %dma_wait3A_261, %dma_wait3A_262] : memref<5x128x128xf32, #tpu.memory_space<vmem>> -> memref<1x128x128xf32, #tpu.memory_space<vmem>>
      %dma_wait3A_264 = tpu.memref_squeeze %dma_wait3A_263 : memref<1x128x128xf32, #tpu.memory_space<vmem>> -> memref<128x128xf32, #tpu.memory_space<vmem>>
      %dma_wait3A_265 = arith.constant 0 : i32
      %dma_wait3A_266 = tpu.memref_slice %arg4[%mul3A_2, %dma_wait3A_265] : memref<4096x6400xf32, #tpu.memory_space<hbm>> -> memref<128x128xf32, #tpu.memory_space<hbm>>
      %dma_wait3A_267 = arith.constant 0 : i32
      %dma_wait3A_268 = tpu.memref_slice %arg4[%mul3A_2, %dma_wait3A_267] : memref<4096x6400xf32, #tpu.memory_space<hbm>> -> memref<128x128xf32, #tpu.memory_space<hbm>>
      %dma_wait3A_269 = arith.constant 0 : i32
      %dma_wait3A_270 = arith.constant 0 : i32
      %dma_wait3A_271 = tpu.memref_slice %arg6[%dma_wait3A_260, %dma_wait3A_269, %dma_wait3A_270] : memref<5x128x128xf32, #tpu.memory_space<vmem>> -> memref<1x128x128xf32, #tpu.memory_space<vmem>>
      %dma_wait3A_272 = tpu.memref_squeeze %dma_wait3A_271 : memref<1x128x128xf32, #tpu.memory_space<vmem>> -> memref<128x128xf32, #tpu.memory_space<vmem>>
      tpu.wait_dma2 semaphore(%arg13 : memref<!tpu.dma_semaphore, #tpu.memory_space<semaphore_mem>>) src(%dma_wait3A_272 : memref<128x128xf32, #tpu.memory_space<vmem>>) dst(%dma_wait3A_268 : memref<128x128xf32, #tpu.memory_space<hbm>>)
      %add3A_273 = arith.constant 2 : i32
      %add3A_274 = arith.addi %add3A_259, %add3A_273 : i32
      %lt3A_275 = arith.constant 50 : i32
      %lt3A_276 = arith.cmpi slt, %add3A_274, %lt3A_275 : i32
      %convert_element_type3A_277 = arith.extui %lt3A_276 : i1 to i32
      %cond3A_278 = arith.constant 0 : i32
      %cond3A_279 = arith.cmpi ne, %convert_element_type3A_277, %cond3A_278 : i32
      scf.if %cond3A_279 {
        %add3A_305 = arith.constant 2 : i32
        %add3A_306 = arith.addi %add3A_259, %add3A_305 : i32
        %dma_start3A_307 = arith.constant 1 : i32
        %dma_start3A_308 = arith.constant 0 : i32
        %dma_start3A_309 = arith.constant 0 : i32
        %dma_start3A_310 = tpu.memref_slice %arg6[%dma_start3A_307, %dma_start3A_308, %dma_start3A_309] : memref<5x128x128xf32, #tpu.memory_space<vmem>> -> memref<1x128x128xf32, #tpu.memory_space<vmem>>
        %dma_start3A_311 = tpu.memref_squeeze %dma_start3A_310 : memref<1x128x128xf32, #tpu.memory_space<vmem>> -> memref<128x128xf32, #tpu.memory_space<vmem>>
        %dma_start3A_312 = arith.constant 0 : i32
        %dma_start3A_313 = tpu.memref_slice %arg5[%add3A_306, %dma_start3A_312] : memref<50x128xi32, #tpu.memory_space<vmem>> -> memref<1x128xi32, #tpu.memory_space<vmem>>
        %dma_start3A_314 = tpu.memref_squeeze %dma_start3A_313 : memref<1x128xi32, #tpu.memory_space<vmem>> -> memref<128xi32, #tpu.memory_space<vmem>>
        %dma_start3A_315 = arith.constant 0 : i32
        %dma_start3A_316 = arith.constant 0 : i32
        %dma_start3A_317 = tpu.memref_slice %arg3[%dma_start3A_315, %dma_start3A_316] : memref<100000x128xf32, #tpu.memory_space<hbm>> -> memref<100000x128xf32, #tpu.memory_space<hbm>>
        tpu.enqueue_indirect_dma source(%dma_start3A_317 : memref<100000x128xf32, #tpu.memory_space<hbm>>) target(%dma_start3A_311 : memref<128x128xf32, #tpu.memory_space<vmem>>) offsets(%dma_start3A_314 : memref<128xi32, #tpu.memory_space<vmem>>) semaphore(%arg8 : memref<!tpu.dma_semaphore, #tpu.memory_space<semaphore_mem>>)
      } else {
      }
      %dma_wait3A_280 = arith.constant 0 : i32
      %dma_wait3A_281 = arith.constant 4 : i32
      %dma_wait3A_282 = arith.constant 0 : i32
      %dma_wait3A_283 = arith.constant 0 : i32
      %dma_wait3A_284 = tpu.memref_slice %arg6[%dma_wait3A_281, %dma_wait3A_282, %dma_wait3A_283] : memref<5x128x128xf32, #tpu.memory_space<vmem>> -> memref<1x128x128xf32, #tpu.memory_space<vmem>>
      %dma_wait3A_285 = tpu.memref_squeeze %dma_wait3A_284 : memref<1x128x128xf32, #tpu.memory_space<vmem>> -> memref<128x128xf32, #tpu.memory_space<vmem>>
      %dma_wait3A_286 = arith.constant 0 : i32
      %dma_wait3A_287 = tpu.memref_slice %arg5[%dma_wait3A_280, %dma_wait3A_286] : memref<50x128xi32, #tpu.memory_space<vmem>> -> memref<1x128xi32, #tpu.memory_space<vmem>>
      %dma_wait3A_288 = tpu.memref_squeeze %dma_wait3A_287 : memref<1x128xi32, #tpu.memory_space<vmem>> -> memref<128xi32, #tpu.memory_space<vmem>>
      %dma_wait3A_289 = arith.constant 0 : i32
      %dma_wait3A_290 = arith.constant 0 : i32
      %dma_wait3A_291 = tpu.memref_slice %arg3[%dma_wait3A_289, %dma_wait3A_290] : memref<100000x128xf32, #tpu.memory_space<hbm>> -> memref<100000x128xf32, #tpu.memory_space<hbm>>
      tpu.wait_indirect_dma semaphore(%arg11 : memref<!tpu.dma_semaphore, #tpu.memory_space<semaphore_mem>>) src(%dma_wait3A_291 : memref<100000x128xf32, #tpu.memory_space<hbm>>) dst(%dma_wait3A_285 : memref<128x128xf32, #tpu.memory_space<vmem>>)
      %mul3A_292 = arith.constant 128 : i32
      %mul3A_293 = arith.muli %add3A_259, %mul3A_292 : i32
      %dma_start3A_294 = arith.constant 4 : i32
      %dma_start3A_295 = arith.constant 0 : i32
      %dma_start3A_296 = arith.constant 0 : i32
      %dma_start3A_297 = tpu.memref_slice %arg6[%dma_start3A_294, %dma_start3A_295, %dma_start3A_296] : memref<5x128x128xf32, #tpu.memory_space<vmem>> -> memref<1x128x128xf32, #tpu.memory_space<vmem>>
      %dma_start3A_298 = tpu.memref_squeeze %dma_start3A_297 : memref<1x128x128xf32, #tpu.memory_space<vmem>> -> memref<128x128xf32, #tpu.memory_space<vmem>>
      %dma_start3A_299 = tpu.memref_slice %arg4[%mul3A_2, %mul3A_293] : memref<4096x6400xf32, #tpu.memory_space<hbm>> -> memref<128x128xf32, #tpu.memory_space<hbm>>
      %dma_start3A_300 = tpu.memref_slice %arg4[%mul3A_2, %mul3A_293] : memref<4096x6400xf32, #tpu.memory_space<hbm>> -> memref<128x128xf32, #tpu.memory_space<hbm>>
      %dma_start3A_301 = arith.constant 0 : i32
      %dma_start3A_302 = arith.constant 0 : i32
      %dma_start3A_303 = tpu.memref_slice %arg6[%dma_start3A_294, %dma_start3A_301, %dma_start3A_302] : memref<5x128x128xf32, #tpu.memory_space<vmem>> -> memref<1x128x128xf32, #tpu.memory_space<vmem>>
      %dma_start3A_304 = tpu.memref_squeeze %dma_start3A_303 : memref<1x128x128xf32, #tpu.memory_space<vmem>> -> memref<128x128xf32, #tpu.memory_space<vmem>>
      tpu.enqueue_dma source(%dma_start3A_304 : memref<128x128xf32, #tpu.memory_space<vmem>>) target(%dma_start3A_300 : memref<128x128xf32, #tpu.memory_space<hbm>>) target_semaphore(%arg16 : memref<!tpu.dma_semaphore, #tpu.memory_space<semaphore_mem>>)
    }
    %scan3A_30 = arith.constant 10 : i32
    %dma_wait3A = arith.constant 2 : i32
    %dma_wait3A_31 = arith.constant 0 : i32
    %dma_wait3A_32 = arith.constant 0 : i32
    %dma_wait3A_33 = tpu.memref_slice %arg6[%dma_wait3A, %dma_wait3A_31, %dma_wait3A_32] : memref<5x128x128xf32, #tpu.memory_space<vmem>> -> memref<1x128x128xf32, #tpu.memory_space<vmem>>
    %dma_wait3A_34 = tpu.memref_squeeze %dma_wait3A_33 : memref<1x128x128xf32, #tpu.memory_space<vmem>> -> memref<128x128xf32, #tpu.memory_space<vmem>>
    %dma_wait3A_35 = arith.constant 0 : i32
    %dma_wait3A_36 = tpu.memref_slice %arg4[%mul3A_2, %dma_wait3A_35] : memref<4096x6400xf32, #tpu.memory_space<hbm>> -> memref<128x128xf32, #tpu.memory_space<hbm>>
    %dma_wait3A_37 = arith.constant 0 : i32
    %dma_wait3A_38 = tpu.memref_slice %arg4[%mul3A_2, %dma_wait3A_37] : memref<4096x6400xf32, #tpu.memory_space<hbm>> -> memref<128x128xf32, #tpu.memory_space<hbm>>
    %dma_wait3A_39 = arith.constant 0 : i32
    %dma_wait3A_40 = arith.constant 0 : i32
    %dma_wait3A_41 = tpu.memref_slice %arg6[%dma_wait3A, %dma_wait3A_39, %dma_wait3A_40] : memref<5x128x128xf32, #tpu.memory_space<vmem>> -> memref<1x128x128xf32, #tpu.memory_space<vmem>>
    %dma_wait3A_42 = tpu.memref_squeeze %dma_wait3A_41 : memref<1x128x128xf32, #tpu.memory_space<vmem>> -> memref<128x128xf32, #tpu.memory_space<vmem>>
    tpu.wait_dma2 semaphore(%arg14 : memref<!tpu.dma_semaphore, #tpu.memory_space<semaphore_mem>>) src(%dma_wait3A_42 : memref<128x128xf32, #tpu.memory_space<vmem>>) dst(%dma_wait3A_38 : memref<128x128xf32, #tpu.memory_space<hbm>>)
    %dma_wait3A_43 = arith.constant 3 : i32
    %dma_wait3A_44 = arith.constant 0 : i32
    %dma_wait3A_45 = arith.constant 0 : i32
    %dma_wait3A_46 = tpu.memref_slice %arg6[%dma_wait3A_43, %dma_wait3A_44, %dma_wait3A_45] : memref<5x128x128xf32, #tpu.memory_space<vmem>> -> memref<1x128x128xf32, #tpu.memory_space<vmem>>
    %dma_wait3A_47 = tpu.memref_squeeze %dma_wait3A_46 : memref<1x128x128xf32, #tpu.memory_space<vmem>> -> memref<128x128xf32, #tpu.memory_space<vmem>>
    %dma_wait3A_48 = arith.constant 0 : i32
    %dma_wait3A_49 = tpu.memref_slice %arg4[%mul3A_2, %dma_wait3A_48] : memref<4096x6400xf32, #tpu.memory_space<hbm>> -> memref<128x128xf32, #tpu.memory_space<hbm>>
    %dma_wait3A_50 = arith.constant 0 : i32
    %dma_wait3A_51 = tpu.memref_slice %arg4[%mul3A_2, %dma_wait3A_50] : memref<4096x6400xf32, #tpu.memory_space<hbm>> -> memref<128x128xf32, #tpu.memory_space<hbm>>
    %dma_wait3A_52 = arith.constant 0 : i32
    %dma_wait3A_53 = arith.constant 0 : i32
    %dma_wait3A_54 = tpu.memref_slice %arg6[%dma_wait3A_43, %dma_wait3A_52, %dma_wait3A_53] : memref<5x128x128xf32, #tpu.memory_space<vmem>> -> memref<1x128x128xf32, #tpu.memory_space<vmem>>
    %dma_wait3A_55 = tpu.memref_squeeze %dma_wait3A_54 : memref<1x128x128xf32, #tpu.memory_space<vmem>> -> memref<128x128xf32, #tpu.memory_space<vmem>>
    tpu.wait_dma2 semaphore(%arg15 : memref<!tpu.dma_semaphore, #tpu.memory_space<semaphore_mem>>) src(%dma_wait3A_55 : memref<128x128xf32, #tpu.memory_space<vmem>>) dst(%dma_wait3A_51 : memref<128x128xf32, #tpu.memory_space<hbm>>)
    %dma_wait3A_56 = arith.constant 4 : i32
    %dma_wait3A_57 = arith.constant 0 : i32
    %dma_wait3A_58 = arith.constant 0 : i32
    %dma_wait3A_59 = tpu.memref_slice %arg6[%dma_wait3A_56, %dma_wait3A_57, %dma_wait3A_58] : memref<5x128x128xf32, #tpu.memory_space<vmem>> -> memref<1x128x128xf32, #tpu.memory_space<vmem>>
    %dma_wait3A_60 = tpu.memref_squeeze %dma_wait3A_59 : memref<1x128x128xf32, #tpu.memory_space<vmem>> -> memref<128x128xf32, #tpu.memory_space<vmem>>
    %dma_wait3A_61 = arith.constant 0 : i32
    %dma_wait3A_62 = tpu.memref_slice %arg4[%mul3A_2, %dma_wait3A_61] : memref<4096x6400xf32, #tpu.memory_space<hbm>> -> memref<128x128xf32, #tpu.memory_space<hbm>>
    %dma_wait3A_63 = arith.constant 0 : i32
    %dma_wait3A_64 = tpu.memref_slice %arg4[%mul3A_2, %dma_wait3A_63] : memref<4096x6400xf32, #tpu.memory_space<hbm>> -> memref<128x128xf32, #tpu.memory_space<hbm>>
    %dma_wait3A_65 = arith.constant 0 : i32
    %dma_wait3A_66 = arith.constant 0 : i32
    %dma_wait3A_67 = tpu.memref_slice %arg6[%dma_wait3A_56, %dma_wait3A_65, %dma_wait3A_66] : memref<5x128x128xf32, #tpu.memory_space<vmem>> -> memref<1x128x128xf32, #tpu.memory_space<vmem>>
    %dma_wait3A_68 = tpu.memref_squeeze %dma_wait3A_67 : memref<1x128x128xf32, #tpu.memory_space<vmem>> -> memref<128x128xf32, #tpu.memory_space<vmem>>
    tpu.wait_dma2 semaphore(%arg16 : memref<!tpu.dma_semaphore, #tpu.memory_space<semaphore_mem>>) src(%dma_wait3A_68 : memref<128x128xf32, #tpu.memory_space<vmem>>) dst(%dma_wait3A_64 : memref<128x128xf32, #tpu.memory_space<hbm>>)
    return
  }
}

</mosaic_0001>

<sc_bundles>
// kernel: kernel.3.cloned.1.call-start
scs
__scs_entry_jumppad:
0x0: {  	(pc) =	sbr.rel $0x88, $3  }
0x1: {  	(tag) =	ssettag $0x0;
	lr =	simm.s32 $0x1  }
0x2: {  	[smem:$0x3F9F] =	sst lr;
	_ =	strace $0xD0000000  }
0x3: {  	_ = 	snop  }
0x4: {  	_ = 	snop  }
0x5: {  	_ = 	snop  }
0x6: {  	_ = 	snop  }
0x7: {  	_ = 	snop  }
__scs_overlays_trampoline_lowered:
0x8: {  	[smem:$0x3FAE] =	sst s0  }
0x9: {  	[smem:$0x3FAF] =	sst s1  }
0xa: {  	[smem:$0x3FB0] =	sst s2  }
0xb: {  	[smem:$0x3FB1] =	sst s3  }
0xc: {  	[smem:$0x3FB2] =	sst s4  }
0xd: {  	[smem:$0x3FB3] =	sst s5  }
0xe: {  	[smem:$0x3FB4] =	sst s6  }
0xf: {  	[smem:$0x3FB5] =	sst s7  }
0x10: {  	[smem:$0x3FB6] =	sst s8  }
0x11: {  	[smem:$0x3FB7] =	sst s9;
	s0 =	simm.s32 @!p0 $0x0  }
0x12: {  	s1 =	sld [smem:$0x3F9D];
	s0 =	simm.s32 @p0 $0x1  }
0x13: {  	[smem:$0x3FB8] =	sst s0;
	s0 =	simm.s32 @!p1 $0x0  }
0x14: {  	s2 =	sld [smem:$0x3F9C];
	s0 =	simm.s32 @p1 $0x1  }
0x15: {  	[smem:$0x3FB9] =	sst s0;
	s0 =	simm.s32 @!p2 $0x0  }
0x16: {  	s3 =	sld [smem:$0x3FDB];
	s0 =	simm.s32 @p2 $0x1  }
0x17: {  	s4 =	simm.s32 $0x1BF5;
	[smem:$0x3FBB] =	sst s0  }
0x18: {  	s0 =	sld [smem:$0x3F9E];
	_ =	swait.ge [sflag:s4], $0x0  }
0x19: {  	s7 =	sld [smem:$0x3F9F]  }
0x1a: {  	s8 =	sadd.s32 $0xFFFFE003, lr  }
0x1b: {  	s9 =	sadd.s32 $0xFFFFFEF7, lr;
	s5 =	simm.s32 $0xFFFFFFFF;
	p2 =	slt.u32 s8, $0xFFFFF086  }
0x1c: {  	p1 =	slt.u32 s9, $0xF7A;
	s5 =	simm.s32 @!p2 $0x0  }
0x1d: {  	s5 =	simm.s32 @p1 $0x1;
	p0 =	seq.s32 s7, s2  }
0x1e: {  	s7 =	smul.u32 @!p0 $0xF7A, s2;
	p2 =	seq.s32 @!p0 s5, $0x0  }
0x1f: {  	s9 =	smul.u32 $0xF7A, s1;
	s8 =	simm.s32 @!p0 $0x1BF5;
	p2 =	por !p2, p0  }
0x20: {  	[sflag:s8] =	ssyncset.s32 @!p0 $0xFFFFF086;
	s6 =	sadd.s32 @!p0 s3, s7;
	s7 =	simm.s32 @!p0 $0x108  }
0x21: {  	s3 =	sadd.s32 s3, s9;
	s6 =	sadd.s32 @!p0 $0x88, s6;
	s7 =	simm.s32 @p2 $0x1082  }
0x22: {  	[simem:s7], [sflag:s8] =	dma.local @!p0 [hbm:s6], $0xF7A  }
0x23: {  	s9 =	sor.u32 $0xD0000000, s2;
	s6 =	simm.s32 $0x108;
	_ =	swait.ge @!p0 [sflag:s8], $0x0  }
0x24: {  	s3 =	sadd.s32 $0x88, s3;
	s6 =	simm.s32 @!p1 $0x1082;
	[sflag:s4] =	ssyncset.s32 $0xFFFFF086  }
0x25: {  	[simem:s6], [sflag:s4] =	dma.local [hbm:s3], $0xF7A  }
0x26: {  	[smem:$0x3F9F] =	sst s1;
	(tag) =	ssettag s2;
	_ =	strace s9  }
0x27: {  	s1 =	sld [smem:$0x3FAF]  }
0x28: {  	s2 =	sld [smem:$0x3FB0]  }
0x29: {  	s4 =	sld [smem:$0x3FB2]  }
0x2a: {  	p0 =	seq.s32 s5, $0x0;
	s5 =	sld [smem:$0x3FB3]  }
0x2b: {  	s6 =	sld [smem:$0x3FB4]  }
0x2c: {  	s7 =	sld [smem:$0x3FB5]  }
0x2d: {  	s3 =	simm.s32 $0x108;
	s8 =	sld [smem:$0x3FB6]  }
0x2e: {  	s3 =	simm.s32 @!p0 $0x1082;
	s9 =	sld [smem:$0x3FB7]  }
0x2f: {  	lr =	sadd.s32 s0, s3;
	s0 =	sld [smem:$0x3FAE]  }
0x30: {  	s3 =	sld [smem:$0x3FB1]  }
0x31: {  	[smem:$0x3FBA] =	sst s10  }
0x32: {  	s10 =	sld [smem:$0x3FB8];
	_ =	sdelay $0x3  }
0x33: {  	p0 =	seq.s32 s10, $0x1;
	s10 =	sld [smem:$0x3FBA];
	_ =	sdelay $0x3  }
0x34: {  	[smem:$0x3FBA] =	sst s10  }
0x35: {  	s10 =	sld [smem:$0x3FB9];
	_ =	sdelay $0x3  }
0x36: {  	p1 =	seq.s32 s10, $0x1;
	s10 =	sld [smem:$0x3FBA];
	_ =	sdelay $0x3  }
0x37: {  	[smem:$0x3FBA] =	sst s10  }
0x38: {  	s10 =	sld [smem:$0x3FBB]  }
0x39: {  	_ = 	snop;
	(pc) =	sbr.ind lr, $3  }
0x3a: {  	_ = 	snop  }
0x3b: {  	_ = 	snop  }
0x3c: {  	p2 =	seq.s32 s10, $0x1;
	s10 =	sld [smem:$0x3FBA]  }
0x3d: {  	_ =	shalt  }
0x3e: {  	_ =	shalt  }
0x3f: {  	_ =	shalt  }
0x40: {  	_ =	shalt  }
0x41: {  	_ =	shalt  }
0x42: {  	_ =	shalt  }
0x43: {  	_ =	shalt  }
0x44: {  	_ =	shalt  }
0x45: {  	_ =	shalt  }
0x46: {  	_ =	shalt  }
0x47: {  	_ =	shalt  }
0x48: {  	_ =	shalt  }
0x49: {  	_ =	shalt  }
0x4a: {  	_ =	shalt  }
0x4b: {  	_ =	shalt  }
0x4c: {  	_ =	shalt  }
0x4d: {  	_ =	shalt  }
0x4e: {  	_ =	shalt  }
0x4f: {  	_ =	shalt  }
0x50: {  	_ =	shalt  }
0x51: {  	_ =	shalt  }
0x52: {  	_ =	shalt  }
0x53: {  	_ =	shalt  }
0x54: {  	_ =	shalt  }
0x55: {  	_ =	shalt  }
0x56: {  	_ =	shalt  }
0x57: {  	_ =	shalt  }
0x58: {  	_ =	shalt  }
0x59: {  	_ =	shalt  }
0x5a: {  	_ =	shalt  }
0x5b: {  	_ =	shalt  }
0x5c: {  	_ =	shalt  }
0x5d: {  	_ =	shalt  }
0x5e: {  	_ =	shalt  }
0x5f: {  	_ =	shalt  }
0x60: {  	_ =	shalt  }
0x61: {  	_ =	shalt  }
0x62: {  	_ =	shalt  }
0x63: {  	_ =	shalt  }
0x64: {  	_ =	shalt  }
0x65: {  	_ =	shalt  }
0x66: {  	_ =	shalt  }
0x67: {  	_ =	shalt  }
0x68: {  	_ =	shalt  }
0x69: {  	_ =	shalt  }
0x6a: {  	_ =	shalt  }
0x6b: {  	_ =	shalt  }
0x6c: {  	_ =	shalt  }
0x6d: {  	_ =	shalt  }
0x6e: {  	_ =	shalt  }
0x6f: {  	_ =	shalt  }
0x70: {  	_ =	shalt  }
0x71: {  	_ =	shalt  }
0x72: {  	_ =	shalt  }
0x73: {  	_ =	shalt  }
0x74: {  	_ =	shalt  }
0x75: {  	_ =	shalt  }
0x76: {  	_ =	shalt  }
0x77: {  	_ =	shalt  }
0x78: {  	_ =	shalt  }
0x79: {  	_ =	shalt  }
0x7a: {  	_ =	shalt  }
0x7b: {  	_ =	shalt  }
0x7c: {  	_ =	shalt  }
0x7d: {  	_ =	shalt  }
0x7e: {  	_ =	shalt  }
0x7f: {  	_ =	shalt  }
0x80: {  	_ =	shalt  }
0x81: {  	_ =	shalt  }
0x82: {  	_ =	shalt  }
0x83: {  	_ =	shalt  }
0x84: {  	_ =	shalt  }
0x85: {  	_ =	shalt  }
0x86: {  	_ =	shalt  }
0x87: {  	_ =	shalt  }
.Lfunc_end0:
.L_simem_size_0:
called_computation_lowered:
.L_overlay_start_0:
0x88: {  	s2 =	sld [smem:$0x3FD9]  }
0x89: {  	s3 =	sld [smem:$0x3FFE];
	_ =	sdelay $0x1  }
0x8a: {  	s1 =	srdreg.scid  }
0x8b: {  	s0 =	sand.u32 $0x1, s1  }
0x8c: {  	s17 =	sshll.u32 s0, $0xA;
	s2 =	sadd.s32 s3, s2  }
0x8d: {  	s2 =	sadd.s32 s2, s17  }
0x8e: {  	[smem:$0x3FC6] =	sst s2  }
0x8f: {  	_ = 	snop  }
0x90: {  	s2 =	sld [smem:$0x3FC8]  }
0x91: {  	s18 =	sld [smem:$0x3FD0];
	(tm) =	ssettm $0x1  }
0x92: {  	s4 =	sld [smem:$0x3FFB];
	_ =	sdelay $0x3  }
0x93: {  	_ =	strace s4  }
0x94: {  	s4 =	sld [smem:$0x3FFC];
	_ =	sdelay $0x3  }
0x95: {  	_ =	strace s4  }
0x96: {  	s4 =	sld [smem:$0x3FFD];
	_ =	sdelay $0x3  }
0x97: {  	_ =	strace s4  }
0x98: {  	_ =	strace $0x8FFFFFFF  }
0x99: {  	s19 =	sld [smem:$0x3FDB];
	_ =	sdelay $0x1  }
0x9a: {  	s5 =	simm.s32 $_scs_section_size  }
0x9b: {  	s6 =	simm.s32 $_size__tile_overlayer_lowered;
	s7 =	simm.s32 $_tile_overlayer_lowered  }
0x9c: {  	s22 =	simm.s32 $0x1BFF;
	s21 =	sshll.u32 s7, $0x1;
	s4 =	sadd.s32 s5, s19  }
0x9d: {  	s8 =	simm.s32 $0x0;
	s20 =	sshll.u32 s6, $0x1;
	s6 =	sadd.s32 s21, s4  }
0x9e: {  	[timem:s8], [sflag:s22] =	dma.local [hbm:s6], s20  }
0x9f: {  	_ =	swait.ge [sflag:s22], s20  }
0xa0: {  	s5 =	ssub.s32 $0x0, s20;
	[sflag:s22] =	ssyncset.done $0x0  }
0xa1: {  	[sflag:s22] =	ssyncadd.s32 s5;
	_ =	sdelay $0x1  }
0xa2: {  	s23 =	simm.s32 $0x1B8B  }
0xa3: {  	_ =	swait.ge [sflag:s23], $0x1  }
0xa4: {  	[sflag:s23] =	ssyncset.done $0x0  }
0xa5: {  	s25 =	simm.s32 $0x1B8E;
	s24 =	sld [smem:$0x3FFE];
	[sflag:s23] =	ssyncadd.s32 $0xFFFFFFFF  }
0xa6: {  	s26 =	simm.s32 $execute0_lowered;
	[smem:$0x3FD2] =	sst s25  }
0xa7: {  	s6 =	sshll.u32 s26, $0x1;
	_ =	strace $0x80000046;
	[dreg:$0x1] =	wrdreg $0xFFFFFFFF  }
0xa8: {  	s28 =	simm.s32 $_size_execute0_lowered;
	s4 =	sadd.s32 s4, s6;
	[dreg:$0x0] =	wrdreg $0x0  }
0xa9: {  	s6 =	sshll.u32 s28, $0x1;
	[dreg:$0x2] =	wrdreg s4  }
0xaa: {  	[dreg:$0x3] =	wrdreg s6  }
0xab: {  	[dreg:$0x4] =	wrdreg $0xC0  }
0xac: {  	_ =	task [dreg:s8], $0x5FFFF  }
0xad: {  	[dreg:$0x1] =	wrdreg $0xFFFFFFFF  }
0xae: {  	[dreg:$0x0] =	wrdreg $0x60  }
0xaf: {  	[dreg:$0x2] =	wrdreg s24  }
0xb0: {  	[dreg:$0x3] =	wrdreg s2  }
0xb1: {  	[dreg:$0x4] =	wrdreg s18  }
0xb2: {  	[dreg:$0x5] =	wrdreg $0x9  }
0xb3: {  	_ =	task.clear_ibuf [dreg:s8], $0x6FFFF;
	_ =	strace $0x90000046  }
0xb4: {  	s29 =	simm.s32 $0x9;
	_ =	strace $0x80000048  }
0xb5: {  	_ =	swait.ge [sflag:s29], $0x1  }
0xb6: {  	[sflag:s29] =	ssyncadd.s32 $0xFFFFFFFF  }
0xb7: {  	_ =	strace $0x90000048  }
0xb8: {  	_ =	sfence  }
0xb9: {  	s30 =	sld [smem:$0x0];
	_ =	sdelay $0x2  }
0xba: {  	s31 =	sshll.u32 s1, $0xD;
	s1 =	sshrl.u32 s1, $0x2  }
0xbb: {  	s3 =	sand.u32 $0x4000, s31;
	s1 =	sadd.s32 s1, s30  }
0xbc: {  	s0 =	sor.u32 s3, s0;
	s1 =	sshll.u32 s1, $0x11  }
0xbd: {  	s0 =	sor.u32 s1, s0  }
0xbe: {  	s0 =	sadd.s32 $0x8F2B, s0  }
0xbf: {  	[sflag:s0] =	ssyncadd.remote.s32 $0x1  }
0xc0: {  	_ =	sfence.sel $0xFFFF  }
0xc1: {  	[dreg:$0x0] =	wrdreg $0xFFFFFFFF;
	(pc) =	sbr.abs _section_cstart, $3  }
0xc2: {  	[dreg:$0x1] =	wrdreg $0xFFFFFFFF  }
0xc3: {  	_ =	task.clear_ibuf [dreg:s8], $0x2FFFF;
	_ =	strace $0x9FFFFFFF  }
0xc4: {  	(tm) =	ssettm $0x7FFFFFFF  }
0xc5: {  	_ =	shalt  }
tec
execute0_lowered:
.L_overlay_start_1:
0x0: {  	(tag) =	ssettag $0x1  }
0x1: {  	s0 =	rddreg [dreg:$0x0]  }
0x2: {  	s1 =	rddreg [dreg:$0x1]  }
0x3: {  	s2 =	rddreg [dreg:$0x2];
	s4 =	simm.s32 $0x0;
	s3 =	srdreg.scid  }
0x4: {  	s6 =	stileid.u32;
	s8 =	simm.s32 $0x80;
	s11 =	simm.s32 $0x1C00  }
0x5: {  	s12 =	simm.s32 $0x5C00;
	s13 =	simm.s32 $0x9C00;
	s14 =	simm.s32 $0x1  }
0x6: {  	s15 =	simm.s32 $0x400;
	s16 =	simm.s32 $0xC800;
	s17 =	simm.s32 $0xDC00  }
0x7: {  	s18 =	simm.s32 $0x2;
	s19 =	simm.s32 $0x11C00;
	s20 =	simm.s32 $0x3  }
0x8: {  	s21 =	simm.s32 $0x6;
	s22 =	simm.s32 $0x4;
	s23 =	simm.s32 $0x7  }
0x9: {  	s24 =	simm.s32 $0x5;
	s25 =	simm.s32 $0x8;
	s28 =	simm.s32 $0xA  }
0xa: {  	s29 =	simm.s32 $0x0;
	s3 =	sand.u32 $0x1, s3;
	s26 =	smul.u32 $0x190000, s6  }
0xb: {  	[smem:$0x7FF] =	sst s4;
	s6 =	sshll.u32 s6, $0x5;
	s5 =	smul.u32 $0xC8000, s3  }
0xc: {  	_ =	strace $0x80000047;
	s7 =	sshll.u32 s3, $0x4;
	s3 =	ssub.s32 $0x2, s3  }
0xd: {  	s6 =	sor.u32 s7, s6;
	s30 =	sshrl.u32 s3, $0x1;
	s4 =	sadd.s32 s5, s26  }
0xe: {  	s0 =	sadd.s32 s6, s0;
	s3 =	ssub.s32 s3, s30;
	s26 =	simm.s32 $0x9  }
0xf: {  	s5 =	sor.u32 $0x400, s4;
	s0 =	sadd.s32 $0x400, s0;
	s4 =	sshrl.u32 s4, $0x3  }
0x10: {  	s3 =	smax.u32 s3, $0x1;
	[dreg:$0x4] =	wrdreg s0;
	s31 =	sshrl.u32 s5, $0x3  }
0x11: {  	[dreg:$0x5] =	wrdreg s3;
	s7 =	sadd.s32 s4, s2;
	s6 =	sadd.s32 s31, s2  }
.LBB2_1:
0x12: {  	s0 =	simm.s32 $0x0  }
0x13: {  	s2 =	rddreg [dreg:$0x4];
	s3 =	simm.s32 $0x1000;
	s10 =	simm.s32 $0xB  }
0x14: {  	[tilespmem:s0], [sflag:$0xB] =	stream.strided.gather [hbm4b:s2+s8], $0x1900, s3, s8, $0x38;
	[tilespmem:$0x15C00] =	vst v63  }
0x15: {  	_ =	swait.ge [sflag:s10], $0x1900  }
0x16: {  	[sflag:s10] =	ssyncset.done $0x0  }
0x17: {  	p0 =	por $0x1, $0x1;
	[sflag:s10] =	ssyncadd.s32 $0xFFFFE700  }
0x18: {  	[tilespmem:s11], [sflag:$0x1] =	stream.indirect.gather [hbm4b:s1+s8], $0x80, s0, s8, $0xb8;
	[tilespmem:$0x15C00] =	vst v63  }
0x19: {  	s0 =	simm.s32 @!p0 $0x8  }
0x1a: {  	[tilespmem:s12], [sflag:$0x2] =	stream.indirect.gather [hbm4b:s1+s8], $0x80, s8, s8, $0xb8;
	[tilespmem:$0x15C00] =	vst v63  }
0x1b: {  	_ =	swait.ge @!p0 [sflag:s0], $0x4000  }
0x1c: {  	[sflag:s0] =	ssyncset.done @!p0 $0x0  }
0x1d: {  	s3 =	simm.s32 $0x100;
	[sflag:s0] =	ssyncadd.s32 @!p0 $0xFFFFC000  }
0x1e: {  	[tilespmem:s13], [sflag:$0x3] =	stream.indirect.gather [hbm4b:s1+s8], $0x80, s3, s8, $0xb8;
	[tilespmem:$0x15C00] =	vst v63  }
0x1f: {  	_ =	swait.ge [sflag:s14], $0x4000  }
0x20: {  	[sflag:s14] =	ssyncset.done $0x0  }
0x21: {  	s0 =	simm.s32 @!p0 $0x9;
	[sflag:s14] =	ssyncadd.s32 $0xFFFFC000  }
0x22: {  	[hbm4b:s7+s15] =	stream.strided.scatter [tilespmem:s11], [sflag:$0x6], $0x4000, s16, s15, $0x38;
	[tilespmem:$0x15C00] =	vst v63  }
0x23: {  	_ =	swait.ge @!p0 [sflag:s0], $0x4000  }
0x24: {  	[sflag:s0] =	ssyncset.done @!p0 $0x0  }
0x25: {  	s4 =	simm.s32 $0x180;
	[sflag:s0] =	ssyncadd.s32 @!p0 $0xFFFFC000  }
0x26: {  	[tilespmem:s17], [sflag:$0x4] =	stream.indirect.gather [hbm4b:s1+s8], $0x80, s4, s8, $0xb8;
	[tilespmem:$0x15C00] =	vst v63  }
0x27: {  	_ =	swait.ge [sflag:s18], $0x4000  }
0x28: {  	[sflag:s18] =	ssyncset.done $0x0  }
0x29: {  	s0 =	simm.s32 @!p0 $0xA;
	[sflag:s18] =	ssyncadd.s32 $0xFFFFC000  }
0x2a: {  	[hbm4b:s6+s15] =	stream.strided.scatter [tilespmem:s12], [sflag:$0x7], $0x4000, s16, s15, $0x38;
	[tilespmem:$0x15C00] =	vst v63  }
0x2b: {  	_ =	swait.ge @!p0 [sflag:s0], $0x4000  }
0x2c: {  	[sflag:s0] =	ssyncset.done @!p0 $0x0  }
0x2d: {  	s5 =	simm.s32 $0x200;
	[sflag:s0] =	ssyncadd.s32 @!p0 $0xFFFFC000  }
0x2e: {  	[tilespmem:s19], [sflag:$0x5] =	stream.indirect.gather [hbm4b:s1+s8], $0x80, s5, s8, $0xb8;
	[tilespmem:$0x15C00] =	vst v63  }
0x2f: {  	_ =	swait.ge [sflag:s20], $0x4000  }
0x30: {  	[sflag:s20] =	ssyncset.done $0x0  }
0x31: {  	s9 =	sadd.s32 $0x100, s7;
	[sflag:s20] =	ssyncadd.s32 $0xFFFFC000  }
0x32: {  	[hbm4b:s9+s15] =	stream.strided.scatter [tilespmem:s13], [sflag:$0x8], $0x4000, s16, s15, $0x38;
	[tilespmem:$0x15C00] =	vst v63  }
0x33: {  	p0 =	por $0x0, $0x0;
	_ =	swait.ge [sflag:s21], $0x4000  }
0x34: {  	s0 =	simm.s32 @!p0 $0x1C00;
	[sflag:s21] =	ssyncset.done $0x0  }
0x35: {  	s2 =	simm.s32 @!p0 $0x280;
	s3 =	simm.s32 @!p0 $0x80;
	[sflag:s21] =	ssyncadd.s32 $0xFFFFC000  }
0x36: {  	[tilespmem:s0], [sflag:$0x1] =	stream.indirect.gather @!p0 [hbm4b:s1+s3], $0x80, s2, s3, $0xb8;
	[tilespmem:$0x15C00] =	vst v63  }
0x37: {  	_ =	swait.ge [sflag:s22], $0x4000  }
0x38: {  	[sflag:s22] =	ssyncset.done $0x0  }
0x39: {  	s10 =	sadd.s32 $0x180, s7;
	[sflag:s22] =	ssyncadd.s32 $0xFFFFC000  }
0x3a: {  	[hbm4b:s10+s15] =	stream.strided.scatter [tilespmem:s17], [sflag:$0x9], $0x4000, s16, s15, $0x38;
	[tilespmem:$0x15C00] =	vst v63  }
0x3b: {  	_ =	swait.ge [sflag:s23], $0x4000  }
0x3c: {  	s31 =	simm.s32 $0xA00;
	s30 =	sadd.s32 $0x280, s7;
	[sflag:s23] =	ssyncset.done $0x0  }
0x3d: {  	s4 =	simm.s32 @!p0 $0x5C00;
	s0 =	simm.s32 @!p0 $0x300;
	[sflag:s23] =	ssyncadd.s32 $0xFFFFC000  }
0x3e: {  	[tilespmem:s4], [sflag:$0x2] =	stream.indirect.gather @!p0 [hbm4b:s1+s3], $0x80, s0, s3, $0xb8;
	[tilespmem:$0x15C00] =	vst v63  }
0x3f: {  	p1 =	por $0x0, $0x0;
	s2 =	simm.s32 $0x1400;
	_ =	swait.ge [sflag:s24], $0x4000  }
0x40: {  	s0 =	sadd.s32 $0x280, s6;
	s4 =	sadd.s32 $0x200, s7;
	[sflag:s24] =	ssyncset.done $0x0  }
.LBB2_2:
0x41: {  	s5 =	simm.s32 @!p1 $0x8;
	[sflag:s24] =	ssyncadd.s32 $0xFFFFC000  }
0x42: {  	s3 =	smov.u32 s2;
	s2 =	sadd.s32 $0xA00, s2;
	s9 =	smov.u32 s30  }
0x43: {  	[hbm4b:s4+s15] =	stream.strided.scatter [tilespmem:s19], [sflag:$0xA], $0x4000, s16, s15, $0x38;
	[tilespmem:$0x15C00] =	vst v63  }
0x44: {  	p0 =	sne.s32 s2, $0x6400;
	_ =	swait.ge @!p1 [sflag:s5], $0x4000  }
0x45: {  	s4 =	sshra.s32 s31, $0x2;
	[sflag:s5] =	ssyncset.done @!p1 $0x0  }
0x46: {  	[sflag:s5] =	ssyncadd.s32 @!p1 $0xFFFFC000;
	s5 =	sadd.s32 $0x100, s4  }
0x47: {  	[tilespmem:s13], [sflag:$0x3] =	stream.indirect.gather [hbm4b:s1+s8], $0x80, s5, s8, $0xb8;
	[tilespmem:$0x15C00] =	vst v63  }
0x48: {  	_ =	swait.ge [sflag:s14], $0x4000  }
0x49: {  	[sflag:s14] =	ssyncset.done $0x0  }
0x4a: {  	s5 =	simm.s32 @!p1 $0x9;
	[sflag:s14] =	ssyncadd.s32 $0xFFFFC000  }
0x4b: {  	[hbm4b:s30+s15] =	stream.strided.scatter [tilespmem:s11], [sflag:$0x6], $0x4000, s16, s15, $0x38;
	[tilespmem:$0x15C00] =	vst v63  }
0x4c: {  	_ =	swait.ge @!p1 [sflag:s5], $0x4000  }
0x4d: {  	[sflag:s5] =	ssyncset.done @!p1 $0x0  }
0x4e: {  	[sflag:s5] =	ssyncadd.s32 @!p1 $0xFFFFC000;
	s5 =	sadd.s32 $0x180, s4  }
0x4f: {  	[tilespmem:s17], [sflag:$0x4] =	stream.indirect.gather [hbm4b:s1+s8], $0x80, s5, s8, $0xb8;
	[tilespmem:$0x15C00] =	vst v63  }
0x50: {  	_ =	swait.ge [sflag:s18], $0x4000  }
0x51: {  	[sflag:s18] =	ssyncset.done $0x0  }
0x52: {  	s5 =	simm.s32 @!p1 $0xA;
	[sflag:s18] =	ssyncadd.s32 $0xFFFFC000  }
0x53: {  	[hbm4b:s0+s15] =	stream.strided.scatter [tilespmem:s12], [sflag:$0x7], $0x4000, s16, s15, $0x38;
	[tilespmem:$0x15C00] =	vst v63  }
0x54: {  	_ =	swait.ge @!p1 [sflag:s5], $0x4000  }
0x55: {  	[sflag:s5] =	ssyncset.done @!p1 $0x0  }
0x56: {  	s4 =	sadd.s32 $0x200, s4;
	[sflag:s5] =	ssyncadd.s32 @!p1 $0xFFFFC000  }
0x57: {  	[tilespmem:s19], [sflag:$0x5] =	stream.indirect.gather [hbm4b:s1+s8], $0x80, s4, s8, $0xb8;
	[tilespmem:$0x15C00] =	vst v63  }
0x58: {  	_ =	swait.ge [sflag:s20], $0x4000  }
0x59: {  	[sflag:s20] =	ssyncset.done $0x0  }
0x5a: {  	s4 =	sadd.s32 $0x100, s30;
	[sflag:s20] =	ssyncadd.s32 $0xFFFFC000  }
0x5b: {  	[hbm4b:s4+s15] =	stream.strided.scatter [tilespmem:s13], [sflag:$0x8], $0x4000, s16, s15, $0x38;
	[tilespmem:$0x15C00] =	vst v63  }
0x5c: {  	p1 =	seq.s32 s31, $0x5A00;
	_ =	swait.ge [sflag:s21], $0x4000  }
0x5d: {  	s5 =	simm.s32 @!p1 $0x1C00;
	s4 =	sshra.s32 @!p1 s31, $0x2;
	[sflag:s21] =	ssyncset.done $0x0  }
0x5e: {  	s10 =	simm.s32 @!p1 $0x80;
	s31 =	sadd.s32 @!p1 $0x280, s4;
	[sflag:s21] =	ssyncadd.s32 $0xFFFFC000  }
0x5f: {  	[tilespmem:s5], [sflag:$0x1] =	stream.indirect.gather @!p1 [hbm4b:s1+s10], $0x80, s31, s10, $0xb8;
	[tilespmem:$0x15C00] =	vst v63  }
0x60: {  	s4 =	sadd.s32 @!p1 $0x300, s4;
	s31 =	smov.u32 s3;
	_ =	swait.ge [sflag:s22], $0x4000  }
0x61: {  	[sflag:s22] =	ssyncset.done $0x0  }
0x62: {  	s3 =	sadd.s32 $0x180, s30;
	[sflag:s22] =	ssyncadd.s32 $0xFFFFC000  }
0x63: {  	[hbm4b:s3+s15] =	stream.strided.scatter [tilespmem:s17], [sflag:$0x9], $0x4000, s16, s15, $0x38;
	[tilespmem:$0x15C00] =	vst v63  }
0x64: {  	_ =	swait.ge [sflag:s23], $0x4000  }
.Ltmp0:
0x65: {  	[sflag:s23] =	ssyncset.done $0x0;
	(pc) =	sbr.rel @p0 .LBB2_2-.Ltmp0, $4  }
0x66: {  	s3 =	simm.s32 @!p1 $0x5C00;
	[sflag:s23] =	ssyncadd.s32 $0xFFFFC000  }
0x67: {  	[tilespmem:s3], [sflag:$0x2] =	stream.indirect.gather @!p1 [hbm4b:s1+s10], $0x80, s4, s10, $0xb8;
	[tilespmem:$0x15C00] =	vst v63  }
0x68: {  	s0 =	sadd.s32 $0x280, s0;
	s30 =	sadd.s32 $0x280, s30;
	_ =	swait.ge [sflag:s24], $0x4000  }
0x69: {  	p1 =	seq.s32 s31, $0x0;
	s4 =	sadd.s32 $0x200, s9;
	[sflag:s24] =	ssyncset.done $0x0  }
0x6a: {  	s2 =	simm.s32 @!p1 $0x8;
	[sflag:s24] =	ssyncadd.s32 $0xFFFFC000  }
0x6b: {  	[hbm4b:s4+s15] =	stream.strided.scatter [tilespmem:s19], [sflag:$0xA], $0x4000, s16, s15, $0x38;
	[tilespmem:$0x15C00] =	vst v63  }
0x6c: {  	_ =	swait.ge @!p1 [sflag:s2], $0x4000  }
0x6d: {  	s3 =	sshra.s32 s31, $0x2;
	[sflag:s2] =	ssyncset.done @!p1 $0x0  }
0x6e: {  	s10 =	sadd.s32 $0x100, s3;
	[sflag:s2] =	ssyncadd.s32 @!p1 $0xFFFFC000  }
0x6f: {  	[tilespmem:s13], [sflag:$0x3] =	stream.indirect.gather [hbm4b:s1+s8], $0x80, s10, s8, $0xb8;
	[tilespmem:$0x15C00] =	vst v63  }
0x70: {  	_ =	swait.ge [sflag:s14], $0x4000  }
0x71: {  	[sflag:s14] =	ssyncset.done $0x0  }
0x72: {  	s2 =	simm.s32 @!p1 $0x9;
	[sflag:s14] =	ssyncadd.s32 $0xFFFFC000  }
0x73: {  	[hbm4b:s30+s15] =	stream.strided.scatter [tilespmem:s11], [sflag:$0x6], $0x4000, s16, s15, $0x38;
	[tilespmem:$0x15C00] =	vst v63  }
0x74: {  	_ =	swait.ge @!p1 [sflag:s2], $0x4000  }
0x75: {  	[sflag:s2] =	ssyncset.done @!p1 $0x0  }
0x76: {  	s4 =	sadd.s32 $0x180, s3;
	[sflag:s2] =	ssyncadd.s32 @!p1 $0xFFFFC000  }
0x77: {  	[tilespmem:s17], [sflag:$0x4] =	stream.indirect.gather [hbm4b:s1+s8], $0x80, s4, s8, $0xb8;
	[tilespmem:$0x15C00] =	vst v63  }
0x78: {  	_ =	swait.ge [sflag:s18], $0x4000  }
0x79: {  	[sflag:s18] =	ssyncset.done $0x0  }
0x7a: {  	s2 =	simm.s32 @!p1 $0xA;
	[sflag:s18] =	ssyncadd.s32 $0xFFFFC000  }
0x7b: {  	[hbm4b:s0+s15] =	stream.strided.scatter [tilespmem:s12], [sflag:$0x7], $0x4000, s16, s15, $0x38;
	[tilespmem:$0x15C00] =	vst v63  }
0x7c: {  	_ =	swait.ge @!p1 [sflag:s2], $0x4000  }
0x7d: {  	[sflag:s2] =	ssyncset.done @!p1 $0x0  }
0x7e: {  	s5 =	sadd.s32 $0x200, s3;
	[sflag:s2] =	ssyncadd.s32 @!p1 $0xFFFFC000  }
0x7f: {  	[tilespmem:s19], [sflag:$0x5] =	stream.indirect.gather [hbm4b:s1+s8], $0x80, s5, s8, $0xb8;
	[tilespmem:$0x15C00] =	vst v63  }
0x80: {  	_ =	swait.ge [sflag:s20], $0x4000  }
0x81: {  	[sflag:s20] =	ssyncset.done $0x0  }
0x82: {  	s9 =	sadd.s32 $0x100, s30;
	[sflag:s20] =	ssyncadd.s32 $0xFFFFC000  }
0x83: {  	[hbm4b:s9+s15] =	stream.strided.scatter [tilespmem:s13], [sflag:$0x8], $0x4000, s16, s15, $0x38;
	[tilespmem:$0x15C00] =	vst v63  }
0x84: {  	p0 =	seq.s32 s31, $0x5A00;
	_ =	swait.ge [sflag:s21], $0x4000  }
0x85: {  	s4 =	simm.s32 @!p0 $0x80;
	s0 =	sshra.s32 @!p0 s31, $0x2;
	[sflag:s21] =	ssyncset.done $0x0  }
0x86: {  	s3 =	sadd.s32 @!p0 $0x280, s0;
	s2 =	simm.s32 @!p0 $0x1C00;
	[sflag:s21] =	ssyncadd.s32 $0xFFFFC000  }
0x87: {  	[tilespmem:s2], [sflag:$0x1] =	stream.indirect.gather @!p0 [hbm4b:s1+s4], $0x80, s3, s4, $0xb8;
	[tilespmem:$0x15C00] =	vst v63  }
0x88: {  	_ =	swait.ge [sflag:s22], $0x4000  }
0x89: {  	[sflag:s22] =	ssyncset.done $0x0  }
0x8a: {  	s10 =	sadd.s32 $0x180, s30;
	[sflag:s22] =	ssyncadd.s32 $0xFFFFC000  }
0x8b: {  	[hbm4b:s10+s15] =	stream.strided.scatter [tilespmem:s17], [sflag:$0x9], $0x4000, s16, s15, $0x38;
	[tilespmem:$0x15C00] =	vst v63  }
0x8c: {  	_ =	swait.ge [sflag:s23], $0x4000  }
0x8d: {  	[sflag:s23] =	ssyncset.done $0x0  }
0x8e: {  	s0 =	sadd.s32 @!p0 $0x300, s0;
	s2 =	simm.s32 @!p0 $0x5C00;
	[sflag:s23] =	ssyncadd.s32 $0xFFFFC000  }
0x8f: {  	[tilespmem:s2], [sflag:$0x2] =	stream.indirect.gather @!p0 [hbm4b:s1+s4], $0x80, s0, s4, $0xb8;
	[tilespmem:$0x15C00] =	vst v63  }
0x90: {  	_ =	swait.ge [sflag:s24], $0x4000  }
0x91: {  	[sflag:s24] =	ssyncset.done $0x0  }
0x92: {  	s30 =	sadd.s32 $0x200, s30;
	[sflag:s24] =	ssyncadd.s32 $0xFFFFC000  }
0x93: {  	[hbm4b:s30+s15] =	stream.strided.scatter [tilespmem:s19], [sflag:$0xA], $0x4000, s16, s15, $0x38;
	[tilespmem:$0x15C00] =	vst v63  }
0x94: {  	_ =	swait.ge [sflag:s25], $0x4000  }
0x95: {  	[sflag:s25] =	ssyncset.done $0x0  }
0x96: {  	[sflag:s25] =	ssyncadd.s32 $0xFFFFC000  }
0x97: {  	_ =	swait.ge [sflag:s26], $0x4000  }
0x98: {  	[sflag:s26] =	ssyncset.done $0x0  }
0x99: {  	[sflag:s26] =	ssyncadd.s32 $0xFFFFC000  }
0x9a: {  	_ =	swait.ge [sflag:s28], $0x4000  }
0x9b: {  	s29 =	sadd.s32 $0x1, s29;
	s31 =	rddreg [dreg:$0x5]  }
0x9c: {  	p0 =	sne.s32 s29, s31  }
.Ltmp1:
0x9d: {  	_ = 	snop;
	(pc) =	sbr.rel @p0 .LBB2_1-.Ltmp1, $3  }
0x9e: {  	_ =	sdelay $0x1  }
0x9f: {  	[sflag:s28] =	ssyncset.done $0x0  }
0xa0: {  	[sflag:s28] =	ssyncadd.s32 $0xFFFFC000  }
0xa1: {  	_ =	sfence.sel $0x180000  }
0xa2: {  	[bflag:$0x0] =	sbarrier.arrive $0xFFFF  }
0xa3: {  	_ =	strace $0x90000047  }
0xa4: {  	s0 =	stileid.u32;
	[bflag:$0x2] =	sbarrier.arrive $0xFFFF  }
0xa5: {  	p0 =	sne.s32 s0, $0x0;
	s0 =	rddreg [dreg:$0x3]  }
0xa6: {  	s0 =	sadd.s32 @!p0 $0x100000, s0  }
0xa7: {  	[sflag:s0] =	ssyncadd.tile.s32 @!p0 $0x1;
	_ =	shalt  }
.Lfunc_end2:
_tile_overlayer_lowered:
.L_overlay_start_2:
0xa8: {  	(tag) =	ssettag $0x2  }
0xa9: {  	s0 =	rddreg [dreg:$0x0];
	s2 =	stileid.u32  }
0xaa: {  	s1 =	rddreg [dreg:$0x1];
	p0 =	sne.s32 s2, $0x0  }
0xab: {  	s3 =	rddreg [dreg:$0x2];
	[bflag:$0x3] =	sbarrier.arrive $0xFFFF;
	s2 =	simm.s32 @!p0 $0x1C0B  }
0xac: {  	[timem:s3], [sflag:s2] =	dma.local @!p0 [hbm:s0], s1  }
0xad: {  	s0 =	simm.s32 @!p0 $0xB  }
0xae: {  	_ =	swait.ge @!p0 [sflag:s0], s1  }
0xaf: {  	s1 =	ssub.s32 @!p0 $0x0, s1;
	[sflag:s0] =	ssyncset.done @!p0 $0x0  }
0xb0: {  	[sflag:s0] =	ssyncadd.s32 @!p0 s1  }
0xb1: {  	[bflag:$0x3] =	sbarrier.arrive $0xFFFF  }
0xb2: {  	_ =	shalt  }

</sc_bundles>
